<compile_context>
chip_gen: v7x
topology: tpu7x:2x2x1
jax: 0.10.2.dev20260603
libtpu: 0.0.44.dev20260713+nightly
codegen_flags: <defaults>
</compile_context>

<pallas_src>
import functools

import jax
import jax.numpy as jnp
from jax import lax
from jax.experimental import pallas as pl
from jax.experimental.pallas import tpu as pltpu
from jax.experimental.pallas import tpu_sc as plsc

_SCALE = 2.0
_MASK_BLK = 2000
_CH = 128
_NBUF = 4
_NSPLIT = 2

_KS0 = 0
_KS1 = 42
_KS2 = 0x1BD11BDA ^ _KS0 ^ _KS1
_ROT_A = (13, 15, 26, 6)
_ROT_B = (17, 29, 16, 24)


def _threefry_signbit_keep(flat_s32):
    x1 = flat_s32.astype(jnp.uint32) + jnp.uint32(_KS1)
    x0 = jnp.zeros_like(x1)

    def rounds(x0, x1, rots):
        for r in rots:
            x0 = x0 + x1
            x1 = ((x1 << jnp.uint32(r)) | (x1 >> jnp.uint32(32 - r))) ^ x0
        return x0, x1

    x0, x1 = rounds(x0, x1, _ROT_A)
    x0 = x0 + jnp.uint32(_KS1)
    x1 = x1 + jnp.uint32(_KS2 + 1)
    x0, x1 = rounds(x0, x1, _ROT_B)
    x0 = x0 + jnp.uint32(_KS2)
    x1 = x1 + jnp.uint32(_KS0 + 2)
    x0, x1 = rounds(x0, x1, _ROT_A)
    x0 = x0 + jnp.uint32(_KS0)
    x1 = x1 + jnp.uint32(_KS1 + 3)
    x0, x1 = rounds(x0, x1, _ROT_B)
    x0 = x0 + jnp.uint32(_KS1)
    x1 = x1 + jnp.uint32(_KS2 + 4)
    x0, x1 = rounds(x0, x1, _ROT_A)
    x0 = x0 + jnp.uint32(_KS2)
    x1 = x1 + jnp.uint32(_KS0 + 5)
    return (x0 ^ x1) < jnp.uint32(0x80000000)


def _masked_packed_half(weight_raw, half, dc):
    v, d = weight_raw.shape
    v2 = v // 2
    blk = _MASK_BLK
    nblk = v2 // blk
    c0 = half * dc

    def body(wa_ref, wb_ref, o_ref):
        i = pl.program_id(0)
        pr = lax.broadcasted_iota(jnp.int32, (blk, 2 * dc), 0)
        q = lax.broadcasted_iota(jnp.int32, (blk, 2 * dc), 1)
        qh = q // dc
        flat = (i * blk + pr + qh * v2) * d + c0 + (q - qh * dc)
        keep = _threefry_signbit_keep(flat)
        wcomb = jnp.concatenate(
            [wa_ref[:, c0:c0 + dc], wb_ref[:, c0:c0 + dc]], axis=1)
        o_ref[...] = jnp.where(keep, wcomb * _SCALE, 0.0)

    return pl.pallas_call(
        body,
        grid=(nblk,),
        in_specs=[
            pl.BlockSpec((blk, d), lambda i: (i, 0)),
            pl.BlockSpec((blk, d), lambda i: (i + nblk, 0)),
        ],
        out_specs=pl.BlockSpec((blk, 2 * dc), lambda i: (i, 0)),
        out_shape=jax.ShapeDtypeStruct((v2, 2 * dc), jnp.float32),
    )(weight_raw, weight_raw)


@functools.lru_cache(maxsize=None)
def _make_gather_half(v, d, dc, batch, hist, half):
    info = plsc.get_sparse_core_info()
    nc, ns = info.num_cores, info.num_subcores
    nw = nc * ns
    per_w = batch // nw
    assert batch == nw * per_w and per_w == _NBUF * _CH

    mesh = plsc.VectorSubcoreMesh(core_axis_name="c", subcore_axis_name="s")

    @functools.partial(
        pl.kernel,
        mesh=mesh,
        out_type=(),
        scratch_types=(
            [
                pltpu.VMEM((hist * per_w,), jnp.int32),
                pltpu.VMEM((_NBUF, _CH, dc), jnp.float32),
            ]
            + [pltpu.SemaphoreType.DMA] * (2 * _NBUF)
        ),
        compiler_params=pltpu.CompilerParams(use_tc_tiling_on_sc=False),
    )
    def gather(table_hbm, idx_hbm, out_hbm, idx_v, bufs, *sems):
        gsems, wsems = sems[:_NBUF], sems[_NBUF:]
        wid = lax.axis_index("s") * nc + lax.axis_index("c")
        b0 = wid * per_w
        pltpu.sync_copy(idx_hbm.at[wid], idx_v)

        def g_start(h, slot):
            pltpu.async_copy(
                table_hbm.at[idx_v.at[pl.ds(h * per_w + slot * _CH, _CH)]],
                bufs.at[slot], gsems[slot])

        def g_wait(slot):
            pltpu.make_async_copy(table_hbm.at[idx_v.at[pl.ds(0, _CH)]],
                                  bufs.at[slot], gsems[slot]).wait()

        def w_start(h, slot):
            pltpu.async_copy(
                bufs.at[slot],
                out_hbm.at[h, pl.ds(b0 + slot * _CH, _CH),
                           pl.ds(half * dc, dc)],
                wsems[slot])

        def w_wait(slot):
            pltpu.make_async_copy(
                bufs.at[slot],
                out_hbm.at[0, pl.ds(0, _CH), pl.ds(half * dc, dc)],
                wsems[slot]).wait()

        for slot in range(_NBUF):
            g_start(0, slot)

        def outer(h, carry):
            for slot in range(_NBUF):
                g_wait(slot)
                w_start(h, slot)

                @pl.when(h + 1 < hist)
                def _():
                    w_wait(slot)
                    g_start(h + 1, slot)

            return carry

        lax.fori_loop(0, hist, outer, 0)
        for slot in range(_NBUF):
            w_wait(slot)

    return gather


def kernel(input, weight_raw):
    batch, hist = input.shape
    v, d = weight_raw.shape
    nw = 32
    per_w = batch // nw
    dc = d // _NSPLIT
    idx32 = input.astype(jnp.int32)
    idx32 = 2 * idx32 - jnp.where(idx32 >= v // 2, v - 1, 0)
    idx = (idx32.T.reshape(hist, nw, per_w).transpose(1, 0, 2)
           .reshape(nw, hist * per_w))
    out_ref = jax.new_ref(pl.empty((hist, batch, d), jnp.float32))
    for half in range(_NSPLIT):
        m_packed = _masked_packed_half(weight_raw, half, dc)
        table = m_packed.reshape(v, dc)
        _make_gather_half(v, d, dc, batch, hist, half)(table, idx, out_ref)
    out = out_ref[...]
    return out.transpose(1, 0, 2)

# --- scband reference (transcript-rebuilt; emitter-appended) ---
"""Pipeline reference for scband-embedding-dropout-17738214933265 (READ-ONLY COPY).

The authoritative reference and input builder live on the scoring server;
editing this copy changes nothing except your own understanding.
"""

import jax, jax.numpy as jnp
import numpy as np

VOCAB = 100000
EMBED_DIM = 128
BATCH = 16384
HIST = 50
DROPOUTE = 0.5

def setup_inputs(seed: int = 0) -> dict:
    key = jax.random.key(seed)
    k_idx, k_w = jax.random.split(key)
    indices = jax.random.randint(k_idx, (BATCH, HIST), 0, VOCAB, dtype=jnp.int64 if jax.config.jax_enable_x64 else jnp.int32)
    weight_raw = jax.random.normal(k_w, (VOCAB, EMBED_DIM), dtype=jnp.float32)
    return {"input": indices, "weight_raw": weight_raw}

def reference(input, weight_raw):
    # Faithful translation of EmbeddingDropout.forward in training mode:
    # 1) F.dropout(weight_raw, p=dropoute, training=True) zeroes entire rows/elements
    #    of the raw embedding table and rescales survivors by 1/(1-p).
    # 2) embedding lookup on the dropped-out table.
    p = DROPOUTE
    mask_key = jax.random.key(42)
    keep = jax.random.bernoulli(mask_key, 1.0 - p, weight_raw.shape)
    w = jnp.where(keep, weight_raw / (1.0 - p), 0.0)
    out = jnp.take(w, input, axis=0)
    return out

if __name__ == "__main__":
    import jax
    _d = setup_inputs()
    print(jax.jit(kernel)(*tuple(_d.values())))

</pallas_src>

<mosaic_0001>
#map = affine_map<(d0, d1) -> (0, 0)>
#map1 = affine_map<(d0, d1) -> (0, 0, 0)>
module attributes {stable_mosaic.version = 14 : i64} {
  func.func @new_body(%arg0: i32, %arg1: i32, %arg2: memref<100000x64xf32, #tpu.memory_space<hbm>>, %arg3: memref<32x25600xi32, #tpu.memory_space<hbm>>, %arg4: memref<50x16384x128xf32, #tpu.memory_space<hbm>>, %arg5: memref<50x16384x128xf32, #tpu.memory_space<hbm>>, %arg6: memref<25600xi32, #tpu.memory_space<vmem>>, %arg7: memref<4x128x64xf32, #tpu.memory_space<vmem>>, %arg8: memref<!tpu.dma_semaphore, #tpu.memory_space<semaphore_mem>>, %arg9: memref<!tpu.dma_semaphore, #tpu.memory_space<semaphore_mem>>, %arg10: memref<!tpu.dma_semaphore, #tpu.memory_space<semaphore_mem>>, %arg11: memref<!tpu.dma_semaphore, #tpu.memory_space<semaphore_mem>>, %arg12: memref<!tpu.dma_semaphore, #tpu.memory_space<semaphore_mem>>, %arg13: memref<!tpu.dma_semaphore, #tpu.memory_space<semaphore_mem>>, %arg14: memref<!tpu.dma_semaphore, #tpu.memory_space<semaphore_mem>>, %arg15: memref<!tpu.dma_semaphore, #tpu.memory_space<semaphore_mem>>) attributes {dimension_semantics = [#tpu.dimension_semantics<core_parallel>, #tpu.dimension_semantics<subcore_parallel>], iteration_bounds = array<i64: 2, 16>, scalar_prefetch = 0 : i64, scratch_operands = 10 : i64, tpu.core_type = #tpu.core_type<sc_vector_subcore>, window_params = [{transform_indices = #map}, {transform_indices = #map}, {transform_indices = #map1}, {transform_indices = #map1}]} {
    %mul3A = arith.constant 2 : i32
    %mul3A_0 = arith.muli %arg1, %mul3A : i32
    %add3A = arith.addi %mul3A_0, %arg0 : i32
    %mul3A_1 = arith.constant 512 : i32
    %mul3A_2 = arith.muli %add3A, %mul3A_1 : i32
    "tpu.region"() ({
      %run_scoped3A = tpu.sem_alloc : memref<!tpu.dma_semaphore, #tpu.memory_space<semaphore_mem>>
      %dma_start3A_118 = arith.constant 0 : i32
      %dma_start3A_119 = tpu.memref_slice %arg3[%add3A, %dma_start3A_118] : memref<32x25600xi32, #tpu.memory_space<hbm>> -> memref<1x25600xi32, #tpu.memory_space<hbm>>
      %dma_start3A_120 = tpu.memref_squeeze %dma_start3A_119 : memref<1x25600xi32, #tpu.memory_space<hbm>> -> memref<25600xi32, #tpu.memory_space<hbm>>
      %dma_start3A_121 = arith.constant 0 : i32
      %dma_start3A_122 = tpu.memref_slice %arg3[%add3A, %dma_start3A_121] : memref<32x25600xi32, #tpu.memory_space<hbm>> -> memref<1x25600xi32, #tpu.memory_space<hbm>>
      %dma_start3A_123 = tpu.memref_squeeze %dma_start3A_122 : memref<1x25600xi32, #tpu.memory_space<hbm>> -> memref<25600xi32, #tpu.memory_space<hbm>>
      tpu.enqueue_dma source(%dma_start3A_123 : memref<25600xi32, #tpu.memory_space<hbm>>) target(%arg6 : memref<25600xi32, #tpu.memory_space<vmem>>) target_semaphore(%run_scoped3A : memref<!tpu.dma_semaphore, #tpu.memory_space<semaphore_mem>>)
      %dma_wait3A_124 = arith.constant 0 : i32
      %dma_wait3A_125 = tpu.memref_slice %arg3[%add3A, %dma_wait3A_124] : memref<32x25600xi32, #tpu.memory_space<hbm>> -> memref<1x25600xi32, #tpu.memory_space<hbm>>
      %dma_wait3A_126 = tpu.memref_squeeze %dma_wait3A_125 : memref<1x25600xi32, #tpu.memory_space<hbm>> -> memref<25600xi32, #tpu.memory_space<hbm>>
      %dma_wait3A_127 = arith.constant 0 : i32
      %dma_wait3A_128 = tpu.memref_slice %arg3[%add3A, %dma_wait3A_127] : memref<32x25600xi32, #tpu.memory_space<hbm>> -> memref<1x25600xi32, #tpu.memory_space<hbm>>
      %dma_wait3A_129 = tpu.memref_squeeze %dma_wait3A_128 : memref<1x25600xi32, #tpu.memory_space<hbm>> -> memref<25600xi32, #tpu.memory_space<hbm>>
      tpu.wait_dma2 semaphore(%run_scoped3A : memref<!tpu.dma_semaphore, #tpu.memory_space<semaphore_mem>>) src(%dma_wait3A_129 : memref<25600xi32, #tpu.memory_space<hbm>>) dst(%arg6 : memref<25600xi32, #tpu.memory_space<vmem>>)
      tpu.yield
    }) : () -> ()
    %dma_start3A = arith.constant 0 : i32
    %dma_start3A_3 = arith.constant 0 : i32
    %dma_start3A_4 = arith.constant 0 : i32
    %dma_start3A_5 = tpu.memref_slice %arg7[%dma_start3A, %dma_start3A_3, %dma_start3A_4] : memref<4x128x64xf32, #tpu.memory_space<vmem>> -> memref<1x128x64xf32, #tpu.memory_space<vmem>>
    %dma_start3A_6 = tpu.memref_squeeze %dma_start3A_5 : memref<1x128x64xf32, #tpu.memory_space<vmem>> -> memref<128x64xf32, #tpu.memory_space<vmem>>
    %dma_start3A_7 = arith.constant 0 : i32
    %dma_start3A_8 = tpu.memref_slice %arg6[%dma_start3A_7] : memref<25600xi32, #tpu.memory_space<vmem>> -> memref<128xi32, #tpu.memory_space<vmem>>
    %dma_start3A_9 = arith.constant 0 : i32
    %dma_start3A_10 = arith.constant 0 : i32
    %dma_start3A_11 = tpu.memref_slice %arg2[%dma_start3A_9, %dma_start3A_10] : memref<100000x64xf32, #tpu.memory_space<hbm>> -> memref<100000x64xf32, #tpu.memory_space<hbm>>
    tpu.enqueue_indirect_dma source(%dma_start3A_11 : memref<100000x64xf32, #tpu.memory_space<hbm>>) target(%dma_start3A_6 : memref<128x64xf32, #tpu.memory_space<vmem>>) offsets(%dma_start3A_8 : memref<128xi32, #tpu.memory_space<vmem>>) semaphore(%arg8 : memref<!tpu.dma_semaphore, #tpu.memory_space<semaphore_mem>>)
    %dma_start3A_12 = arith.constant 1 : i32
    %dma_start3A_13 = arith.constant 0 : i32
    %dma_start3A_14 = arith.constant 0 : i32
    %dma_start3A_15 = tpu.memref_slice %arg7[%dma_start3A_12, %dma_start3A_13, %dma_start3A_14] : memref<4x128x64xf32, #tpu.memory_space<vmem>> -> memref<1x128x64xf32, #tpu.memory_space<vmem>>
    %dma_start3A_16 = tpu.memref_squeeze %dma_start3A_15 : memref<1x128x64xf32, #tpu.memory_space<vmem>> -> memref<128x64xf32, #tpu.memory_space<vmem>>
    %dma_start3A_17 = arith.constant 128 : i32
    %dma_start3A_18 = tpu.memref_slice %arg6[%dma_start3A_17] : memref<25600xi32, #tpu.memory_space<vmem>> -> memref<128xi32, #tpu.memory_space<vmem>>
    %dma_start3A_19 = arith.constant 0 : i32
    %dma_start3A_20 = arith.constant 0 : i32
    %dma_start3A_21 = tpu.memref_slice %arg2[%dma_start3A_19, %dma_start3A_20] : memref<100000x64xf32, #tpu.memory_space<hbm>> -> memref<100000x64xf32, #tpu.memory_space<hbm>>
    tpu.enqueue_indirect_dma source(%dma_start3A_21 : memref<100000x64xf32, #tpu.memory_space<hbm>>) target(%dma_start3A_16 : memref<128x64xf32, #tpu.memory_space<vmem>>) offsets(%dma_start3A_18 : memref<128xi32, #tpu.memory_space<vmem>>) semaphore(%arg9 : memref<!tpu.dma_semaphore, #tpu.memory_space<semaphore_mem>>)
    %dma_start3A_22 = arith.constant 2 : i32
    %dma_start3A_23 = arith.constant 0 : i32
    %dma_start3A_24 = arith.constant 0 : i32
    %dma_start3A_25 = tpu.memref_slice %arg7[%dma_start3A_22, %dma_start3A_23, %dma_start3A_24] : memref<4x128x64xf32, #tpu.memory_space<vmem>> -> memref<1x128x64xf32, #tpu.memory_space<vmem>>
    %dma_start3A_26 = tpu.memref_squeeze %dma_start3A_25 : memref<1x128x64xf32, #tpu.memory_space<vmem>> -> memref<128x64xf32, #tpu.memory_space<vmem>>
    %dma_start3A_27 = arith.constant 256 : i32
    %dma_start3A_28 = tpu.memref_slice %arg6[%dma_start3A_27] : memref<25600xi32, #tpu.memory_space<vmem>> -> memref<128xi32, #tpu.memory_space<vmem>>
    %dma_start3A_29 = arith.constant 0 : i32
    %dma_start3A_30 = arith.constant 0 : i32
    %dma_start3A_31 = tpu.memref_slice %arg2[%dma_start3A_29, %dma_start3A_30] : memref<100000x64xf32, #tpu.memory_space<hbm>> -> memref<100000x64xf32, #tpu.memory_space<hbm>>
    tpu.enqueue_indirect_dma source(%dma_start3A_31 : memref<100000x64xf32, #tpu.memory_space<hbm>>) target(%dma_start3A_26 : memref<128x64xf32, #tpu.memory_space<vmem>>) offsets(%dma_start3A_28 : memref<128xi32, #tpu.memory_space<vmem>>) semaphore(%arg10 : memref<!tpu.dma_semaphore, #tpu.memory_space<semaphore_mem>>)
    %dma_start3A_32 = arith.constant 3 : i32
    %dma_start3A_33 = arith.constant 0 : i32
    %dma_start3A_34 = arith.constant 0 : i32
    %dma_start3A_35 = tpu.memref_slice %arg7[%dma_start3A_32, %dma_start3A_33, %dma_start3A_34] : memref<4x128x64xf32, #tpu.memory_space<vmem>> -> memref<1x128x64xf32, #tpu.memory_space<vmem>>
    %dma_start3A_36 = tpu.memref_squeeze %dma_start3A_35 : memref<1x128x64xf32, #tpu.memory_space<vmem>> -> memref<128x64xf32, #tpu.memory_space<vmem>>
    %dma_start3A_37 = arith.constant 384 : i32
    %dma_start3A_38 = tpu.memref_slice %arg6[%dma_start3A_37] : memref<25600xi32, #tpu.memory_space<vmem>> -> memref<128xi32, #tpu.memory_space<vmem>>
    %dma_start3A_39 = arith.constant 0 : i32
    %dma_start3A_40 = arith.constant 0 : i32
    %dma_start3A_41 = tpu.memref_slice %arg2[%dma_start3A_39, %dma_start3A_40] : memref<100000x64xf32, #tpu.memory_space<hbm>> -> memref<100000x64xf32, #tpu.memory_space<hbm>>
    tpu.enqueue_indirect_dma source(%dma_start3A_41 : memref<100000x64xf32, #tpu.memory_space<hbm>>) target(%dma_start3A_36 : memref<128x64xf32, #tpu.memory_space<vmem>>) offsets(%dma_start3A_38 : memref<128xi32, #tpu.memory_space<vmem>>) semaphore(%arg11 : memref<!tpu.dma_semaphore, #tpu.memory_space<semaphore_mem>>)
    %scan3A = arith.constant 0 : i32
    %scan3A_42 = arith.constant 0 : i32
    %scan3A_43 = arith.constant 50 : i32
    %scan3A_44 = arith.addi %scan3A_42, %scan3A_43 : i32
    %scan3A_45 = arith.constant 1 : i32
    scf.for %scan3A_118 = %scan3A_42 to %scan3A_44 step %scan3A_45  : i32 {
      %dma_wait3A_119 = arith.constant 0 : i32
      %dma_wait3A_120 = arith.constant 0 : i32
      %dma_wait3A_121 = arith.constant 0 : i32
      %dma_wait3A_122 = tpu.memref_slice %arg7[%dma_wait3A_119, %dma_wait3A_120, %dma_wait3A_121] : memref<4x128x64xf32, #tpu.memory_space<vmem>> -> memref<1x128x64xf32, #tpu.memory_space<vmem>>
      %dma_wait3A_123 = tpu.memref_squeeze %dma_wait3A_122 : memref<1x128x64xf32, #tpu.memory_space<vmem>> -> memref<128x64xf32, #tpu.memory_space<vmem>>
      %dma_wait3A_124 = arith.constant 0 : i32
      %dma_wait3A_125 = tpu.memref_slice %arg6[%dma_wait3A_124] : memref<25600xi32, #tpu.memory_space<vmem>> -> memref<128xi32, #tpu.memory_space<vmem>>
      %dma_wait3A_126 = arith.constant 0 : i32
      %dma_wait3A_127 = arith.constant 0 : i32
      %dma_wait3A_128 = tpu.memref_slice %arg2[%dma_wait3A_126, %dma_wait3A_127] : memref<100000x64xf32, #tpu.memory_space<hbm>> -> memref<100000x64xf32, #tpu.memory_space<hbm>>
      tpu.wait_indirect_dma semaphore(%arg8 : memref<!tpu.dma_semaphore, #tpu.memory_space<semaphore_mem>>) src(%dma_wait3A_128 : memref<100000x64xf32, #tpu.memory_space<hbm>>) dst(%dma_wait3A_123 : memref<128x64xf32, #tpu.memory_space<vmem>>)
      %add3A_129 = arith.constant 0 : i32
      %add3A_130 = arith.addi %mul3A_2, %add3A_129 : i32
      %dma_start3A_131 = arith.constant 0 : i32
      %dma_start3A_132 = arith.constant 0 : i32
      %dma_start3A_133 = arith.constant 0 : i32
      %dma_start3A_134 = tpu.memref_slice %arg7[%dma_start3A_131, %dma_start3A_132, %dma_start3A_133] : memref<4x128x64xf32, #tpu.memory_space<vmem>> -> memref<1x128x64xf32, #tpu.memory_space<vmem>>
      %dma_start3A_135 = tpu.memref_squeeze %dma_start3A_134 : memref<1x128x64xf32, #tpu.memory_space<vmem>> -> memref<128x64xf32, #tpu.memory_space<vmem>>
      %dma_start3A_136 = arith.constant 0 : i32
      %dma_start3A_137 = tpu.memref_slice %arg4[%scan3A_118, %add3A_130, %dma_start3A_136] : memref<50x16384x128xf32, #tpu.memory_space<hbm>> -> memref<1x128x64xf32, #tpu.memory_space<hbm>>
      %dma_start3A_138 = tpu.memref_squeeze %dma_start3A_137 : memref<1x128x64xf32, #tpu.memory_space<hbm>> -> memref<128x64xf32, #tpu.memory_space<hbm>>
      %dma_start3A_139 = arith.constant 0 : i32
      %dma_start3A_140 = tpu.memref_slice %arg4[%scan3A_118, %add3A_130, %dma_start3A_139] : memref<50x16384x128xf32, #tpu.memory_space<hbm>> -> memref<1x128x64xf32, #tpu.memory_space<hbm>>
      %dma_start3A_141 = tpu.memref_squeeze %dma_start3A_140 : memref<1x128x64xf32, #tpu.memory_space<hbm>> -> memref<128x64xf32, #tpu.memory_space<hbm>>
      %dma_start3A_142 = arith.constant 0 : i32
      %dma_start3A_143 = arith.constant 0 : i32
      %dma_start3A_144 = tpu.memref_slice %arg7[%dma_start3A_131, %dma_start3A_142, %dma_start3A_143] : memref<4x128x64xf32, #tpu.memory_space<vmem>> -> memref<1x128x64xf32, #tpu.memory_space<vmem>>
      %dma_start3A_145 = tpu.memref_squeeze %dma_start3A_144 : memref<1x128x64xf32, #tpu.memory_space<vmem>> -> memref<128x64xf32, #tpu.memory_space<vmem>>
      tpu.enqueue_dma source(%dma_start3A_145 : memref<128x64xf32, #tpu.memory_space<vmem>>) target(%dma_start3A_141 : memref<128x64xf32, #tpu.memory_space<hbm>>) target_semaphore(%arg12 : memref<!tpu.dma_semaphore, #tpu.memory_space<semaphore_mem>>)
      %add3A_146 = arith.constant 1 : i32
      %add3A_147 = arith.addi %scan3A_118, %add3A_146 : i32
      %lt3A = arith.constant 50 : i32
      %lt3A_148 = arith.cmpi slt, %add3A_147, %lt3A : i32
      %convert_element_type3A = arith.extui %lt3A_148 : i1 to i32
      %cond3A = arith.constant 0 : i32
      %cond3A_149 = arith.cmpi ne, %convert_element_type3A, %cond3A : i32
      scf.if %cond3A_149 {
        %dma_wait3A_252 = arith.constant 0 : i32
        %dma_wait3A_253 = arith.constant 0 : i32
        %dma_wait3A_254 = arith.constant 0 : i32
        %dma_wait3A_255 = arith.constant 0 : i32
        %dma_wait3A_256 = tpu.memref_slice %arg7[%dma_wait3A_252, %dma_wait3A_254, %dma_wait3A_255] : memref<4x128x64xf32, #tpu.memory_space<vmem>> -> memref<1x128x64xf32, #tpu.memory_space<vmem>>
        %dma_wait3A_257 = tpu.memref_squeeze %dma_wait3A_256 : memref<1x128x64xf32, #tpu.memory_space<vmem>> -> memref<128x64xf32, #tpu.memory_space<vmem>>
        %dma_wait3A_258 = arith.constant 0 : i32
        %dma_wait3A_259 = arith.constant 0 : i32
        %dma_wait3A_260 = tpu.memref_slice %arg4[%dma_wait3A_253, %dma_wait3A_258, %dma_wait3A_259] : memref<50x16384x128xf32, #tpu.memory_space<hbm>> -> memref<1x128x64xf32, #tpu.memory_space<hbm>>
        %dma_wait3A_261 = tpu.memref_squeeze %dma_wait3A_260 : memref<1x128x64xf32, #tpu.memory_space<hbm>> -> memref<128x64xf32, #tpu.memory_space<hbm>>
        %dma_wait3A_262 = arith.constant 0 : i32
        %dma_wait3A_263 = arith.constant 0 : i32
        %dma_wait3A_264 = tpu.memref_slice %arg4[%dma_wait3A_253, %dma_wait3A_262, %dma_wait3A_263] : memref<50x16384x128xf32, #tpu.memory_space<hbm>> -> memref<1x128x64xf32, #tpu.memory_space<hbm>>
        %dma_wait3A_265 = tpu.memref_squeeze %dma_wait3A_264 : memref<1x128x64xf32, #tpu.memory_space<hbm>> -> memref<128x64xf32, #tpu.memory_space<hbm>>
        %dma_wait3A_266 = arith.constant 0 : i32
        %dma_wait3A_267 = arith.constant 0 : i32
        %dma_wait3A_268 = tpu.memref_slice %arg7[%dma_wait3A_252, %dma_wait3A_266, %dma_wait3A_267] : memref<4x128x64xf32, #tpu.memory_space<vmem>> -> memref<1x128x64xf32, #tpu.memory_space<vmem>>
        %dma_wait3A_269 = tpu.memref_squeeze %dma_wait3A_268 : memref<1x128x64xf32, #tpu.memory_space<vmem>> -> memref<128x64xf32, #tpu.memory_space<vmem>>
        tpu.wait_dma2 semaphore(%arg12 : memref<!tpu.dma_semaphore, #tpu.memory_space<semaphore_mem>>) src(%dma_wait3A_269 : memref<128x64xf32, #tpu.memory_space<vmem>>) dst(%dma_wait3A_265 : memref<128x64xf32, #tpu.memory_space<hbm>>)
        %add3A_270 = arith.constant 1 : i32
        %add3A_271 = arith.addi %scan3A_118, %add3A_270 : i32
        %mul3A_272 = arith.constant 512 : i32
        %mul3A_273 = arith.muli %add3A_271, %mul3A_272 : i32
        %add3A_274 = arith.constant 0 : i32
        %add3A_275 = arith.addi %mul3A_273, %add3A_274 : i32
        %dma_start3A_276 = arith.constant 0 : i32
        %dma_start3A_277 = arith.constant 0 : i32
        %dma_start3A_278 = arith.constant 0 : i32
        %dma_start3A_279 = tpu.memref_slice %arg7[%dma_start3A_276, %dma_start3A_277, %dma_start3A_278] : memref<4x128x64xf32, #tpu.memory_space<vmem>> -> memref<1x128x64xf32, #tpu.memory_space<vmem>>
        %dma_start3A_280 = tpu.memref_squeeze %dma_start3A_279 : memref<1x128x64xf32, #tpu.memory_space<vmem>> -> memref<128x64xf32, #tpu.memory_space<vmem>>
        %dma_start3A_281 = tpu.memref_slice %arg6[%add3A_275] : memref<25600xi32, #tpu.memory_space<vmem>> -> memref<128xi32, #tpu.memory_space<vmem>>
        %dma_start3A_282 = arith.constant 0 : i32
        %dma_start3A_283 = arith.constant 0 : i32
        %dma_start3A_284 = tpu.memref_slice %arg2[%dma_start3A_282, %dma_start3A_283] : memref<100000x64xf32, #tpu.memory_space<hbm>> -> memref<100000x64xf32, #tpu.memory_space<hbm>>
        tpu.enqueue_indirect_dma source(%dma_start3A_284 : memref<100000x64xf32, #tpu.memory_space<hbm>>) target(%dma_start3A_280 : memref<128x64xf32, #tpu.memory_space<vmem>>) offsets(%dma_start3A_281 : memref<128xi32, #tpu.memory_space<vmem>>) semaphore(%arg8 : memref<!tpu.dma_semaphore, #tpu.memory_space<semaphore_mem>>)
      } else {
      }
      %dma_wait3A_150 = arith.constant 1 : i32
      %dma_wait3A_151 = arith.constant 0 : i32
      %dma_wait3A_152 = arith.constant 0 : i32
      %dma_wait3A_153 = tpu.memref_slice %arg7[%dma_wait3A_150, %dma_wait3A_151, %dma_wait3A_152] : memref<4x128x64xf32, #tpu.memory_space<vmem>> -> memref<1x128x64xf32, #tpu.memory_space<vmem>>
      %dma_wait3A_154 = tpu.memref_squeeze %dma_wait3A_153 : memref<1x128x64xf32, #tpu.memory_space<vmem>> -> memref<128x64xf32, #tpu.memory_space<vmem>>
      %dma_wait3A_155 = arith.constant 0 : i32
      %dma_wait3A_156 = tpu.memref_slice %arg6[%dma_wait3A_155] : memref<25600xi32, #tpu.memory_space<vmem>> -> memref<128xi32, #tpu.memory_space<vmem>>
      %dma_wait3A_157 = arith.constant 0 : i32
      %dma_wait3A_158 = arith.constant 0 : i32
      %dma_wait3A_159 = tpu.memref_slice %arg2[%dma_wait3A_157, %dma_wait3A_158] : memref<100000x64xf32, #tpu.memory_space<hbm>> -> memref<100000x64xf32, #tpu.memory_space<hbm>>
      tpu.wait_indirect_dma semaphore(%arg9 : memref<!tpu.dma_semaphore, #tpu.memory_space<semaphore_mem>>) src(%dma_wait3A_159 : memref<100000x64xf32, #tpu.memory_space<hbm>>) dst(%dma_wait3A_154 : memref<128x64xf32, #tpu.memory_space<vmem>>)
      %add3A_160 = arith.constant 128 : i32
      %add3A_161 = arith.addi %mul3A_2, %add3A_160 : i32
      %dma_start3A_162 = arith.constant 1 : i32
      %dma_start3A_163 = arith.constant 0 : i32
      %dma_start3A_164 = arith.constant 0 : i32
      %dma_start3A_165 = tpu.memref_slice %arg7[%dma_start3A_162, %dma_start3A_163, %dma_start3A_164] : memref<4x128x64xf32, #tpu.memory_space<vmem>> -> memref<1x128x64xf32, #tpu.memory_space<vmem>>
      %dma_start3A_166 = tpu.memref_squeeze %dma_start3A_165 : memref<1x128x64xf32, #tpu.memory_space<vmem>> -> memref<128x64xf32, #tpu.memory_space<vmem>>
      %dma_start3A_167 = arith.constant 0 : i32
      %dma_start3A_168 = tpu.memref_slice %arg4[%scan3A_118, %add3A_161, %dma_start3A_167] : memref<50x16384x128xf32, #tpu.memory_space<hbm>> -> memref<1x128x64xf32, #tpu.memory_space<hbm>>
      %dma_start3A_169 = tpu.memref_squeeze %dma_start3A_168 : memref<1x128x64xf32, #tpu.memory_space<hbm>> -> memref<128x64xf32, #tpu.memory_space<hbm>>
      %dma_start3A_170 = arith.constant 0 : i32
      %dma_start3A_171 = tpu.memref_slice %arg4[%scan3A_118, %add3A_161, %dma_start3A_170] : memref<50x16384x128xf32, #tpu.memory_space<hbm>> -> memref<1x128x64xf32, #tpu.memory_space<hbm>>
      %dma_start3A_172 = tpu.memref_squeeze %dma_start3A_171 : memref<1x128x64xf32, #tpu.memory_space<hbm>> -> memref<128x64xf32, #tpu.memory_space<hbm>>
      %dma_start3A_173 = arith.constant 0 : i32
      %dma_start3A_174 = arith.constant 0 : i32
      %dma_start3A_175 = tpu.memref_slice %arg7[%dma_start3A_162, %dma_start3A_173, %dma_start3A_174] : memref<4x128x64xf32, #tpu.memory_space<vmem>> -> memref<1x128x64xf32, #tpu.memory_space<vmem>>
      %dma_start3A_176 = tpu.memref_squeeze %dma_start3A_175 : memref<1x128x64xf32, #tpu.memory_space<vmem>> -> memref<128x64xf32, #tpu.memory_space<vmem>>
      tpu.enqueue_dma source(%dma_start3A_176 : memref<128x64xf32, #tpu.memory_space<vmem>>) target(%dma_start3A_172 : memref<128x64xf32, #tpu.memory_space<hbm>>) target_semaphore(%arg13 : memref<!tpu.dma_semaphore, #tpu.memory_space<semaphore_mem>>)
      %add3A_177 = arith.constant 1 : i32
      %add3A_178 = arith.addi %scan3A_118, %add3A_177 : i32
      %lt3A_179 = arith.constant 50 : i32
      %lt3A_180 = arith.cmpi slt, %add3A_178, %lt3A_179 : i32
      %convert_element_type3A_181 = arith.extui %lt3A_180 : i1 to i32
      %cond3A_182 = arith.constant 0 : i32
      %cond3A_183 = arith.cmpi ne, %convert_element_type3A_181, %cond3A_182 : i32
      scf.if %cond3A_183 {
        %dma_wait3A_252 = arith.constant 1 : i32
        %dma_wait3A_253 = arith.constant 0 : i32
        %dma_wait3A_254 = arith.constant 0 : i32
        %dma_wait3A_255 = arith.constant 0 : i32
        %dma_wait3A_256 = tpu.memref_slice %arg7[%dma_wait3A_252, %dma_wait3A_254, %dma_wait3A_255] : memref<4x128x64xf32, #tpu.memory_space<vmem>> -> memref<1x128x64xf32, #tpu.memory_space<vmem>>
        %dma_wait3A_257 = tpu.memref_squeeze %dma_wait3A_256 : memref<1x128x64xf32, #tpu.memory_space<vmem>> -> memref<128x64xf32, #tpu.memory_space<vmem>>
        %dma_wait3A_258 = arith.constant 0 : i32
        %dma_wait3A_259 = arith.constant 0 : i32
        %dma_wait3A_260 = tpu.memref_slice %arg4[%dma_wait3A_253, %dma_wait3A_258, %dma_wait3A_259] : memref<50x16384x128xf32, #tpu.memory_space<hbm>> -> memref<1x128x64xf32, #tpu.memory_space<hbm>>
        %dma_wait3A_261 = tpu.memref_squeeze %dma_wait3A_260 : memref<1x128x64xf32, #tpu.memory_space<hbm>> -> memref<128x64xf32, #tpu.memory_space<hbm>>
        %dma_wait3A_262 = arith.constant 0 : i32
        %dma_wait3A_263 = arith.constant 0 : i32
        %dma_wait3A_264 = tpu.memref_slice %arg4[%dma_wait3A_253, %dma_wait3A_262, %dma_wait3A_263] : memref<50x16384x128xf32, #tpu.memory_space<hbm>> -> memref<1x128x64xf32, #tpu.memory_space<hbm>>
        %dma_wait3A_265 = tpu.memref_squeeze %dma_wait3A_264 : memref<1x128x64xf32, #tpu.memory_space<hbm>> -> memref<128x64xf32, #tpu.memory_space<hbm>>
        %dma_wait3A_266 = arith.constant 0 : i32
        %dma_wait3A_267 = arith.constant 0 : i32
        %dma_wait3A_268 = tpu.memref_slice %arg7[%dma_wait3A_252, %dma_wait3A_266, %dma_wait3A_267] : memref<4x128x64xf32, #tpu.memory_space<vmem>> -> memref<1x128x64xf32, #tpu.memory_space<vmem>>
        %dma_wait3A_269 = tpu.memref_squeeze %dma_wait3A_268 : memref<1x128x64xf32, #tpu.memory_space<vmem>> -> memref<128x64xf32, #tpu.memory_space<vmem>>
        tpu.wait_dma2 semaphore(%arg13 : memref<!tpu.dma_semaphore, #tpu.memory_space<semaphore_mem>>) src(%dma_wait3A_269 : memref<128x64xf32, #tpu.memory_space<vmem>>) dst(%dma_wait3A_265 : memref<128x64xf32, #tpu.memory_space<hbm>>)
        %add3A_270 = arith.constant 1 : i32
        %add3A_271 = arith.addi %scan3A_118, %add3A_270 : i32
        %mul3A_272 = arith.constant 512 : i32
        %mul3A_273 = arith.muli %add3A_271, %mul3A_272 : i32
        %add3A_274 = arith.constant 128 : i32
        %add3A_275 = arith.addi %mul3A_273, %add3A_274 : i32
        %dma_start3A_276 = arith.constant 1 : i32
        %dma_start3A_277 = arith.constant 0 : i32
        %dma_start3A_278 = arith.constant 0 : i32
        %dma_start3A_279 = tpu.memref_slice %arg7[%dma_start3A_276, %dma_start3A_277, %dma_start3A_278] : memref<4x128x64xf32, #tpu.memory_space<vmem>> -> memref<1x128x64xf32, #tpu.memory_space<vmem>>
        %dma_start3A_280 = tpu.memref_squeeze %dma_start3A_279 : memref<1x128x64xf32, #tpu.memory_space<vmem>> -> memref<128x64xf32, #tpu.memory_space<vmem>>
        %dma_start3A_281 = tpu.memref_slice %arg6[%add3A_275] : memref<25600xi32, #tpu.memory_space<vmem>> -> memref<128xi32, #tpu.memory_space<vmem>>
        %dma_start3A_282 = arith.constant 0 : i32
        %dma_start3A_283 = arith.constant 0 : i32
        %dma_start3A_284 = tpu.memref_slice %arg2[%dma_start3A_282, %dma_start3A_283] : memref<100000x64xf32, #tpu.memory_space<hbm>> -> memref<100000x64xf32, #tpu.memory_space<hbm>>
        tpu.enqueue_indirect_dma source(%dma_start3A_284 : memref<100000x64xf32, #tpu.memory_space<hbm>>) target(%dma_start3A_280 : memref<128x64xf32, #tpu.memory_space<vmem>>) offsets(%dma_start3A_281 : memref<128xi32, #tpu.memory_space<vmem>>) semaphore(%arg9 : memref<!tpu.dma_semaphore, #tpu.memory_space<semaphore_mem>>)
      } else {
      }
      %dma_wait3A_184 = arith.constant 2 : i32
      %dma_wait3A_185 = arith.constant 0 : i32
      %dma_wait3A_186 = arith.constant 0 : i32
      %dma_wait3A_187 = tpu.memref_slice %arg7[%dma_wait3A_184, %dma_wait3A_185, %dma_wait3A_186] : memref<4x128x64xf32, #tpu.memory_space<vmem>> -> memref<1x128x64xf32, #tpu.memory_space<vmem>>
      %dma_wait3A_188 = tpu.memref_squeeze %dma_wait3A_187 : memref<1x128x64xf32, #tpu.memory_space<vmem>> -> memref<128x64xf32, #tpu.memory_space<vmem>>
      %dma_wait3A_189 = arith.constant 0 : i32
      %dma_wait3A_190 = tpu.memref_slice %arg6[%dma_wait3A_189] : memref<25600xi32, #tpu.memory_space<vmem>> -> memref<128xi32, #tpu.memory_space<vmem>>
      %dma_wait3A_191 = arith.constant 0 : i32
      %dma_wait3A_192 = arith.constant 0 : i32
      %dma_wait3A_193 = tpu.memref_slice %arg2[%dma_wait3A_191, %dma_wait3A_192] : memref<100000x64xf32, #tpu.memory_space<hbm>> -> memref<100000x64xf32, #tpu.memory_space<hbm>>
      tpu.wait_indirect_dma semaphore(%arg10 : memref<!tpu.dma_semaphore, #tpu.memory_space<semaphore_mem>>) src(%dma_wait3A_193 : memref<100000x64xf32, #tpu.memory_space<hbm>>) dst(%dma_wait3A_188 : memref<128x64xf32, #tpu.memory_space<vmem>>)
      %add3A_194 = arith.constant 256 : i32
      %add3A_195 = arith.addi %mul3A_2, %add3A_194 : i32
      %dma_start3A_196 = arith.constant 2 : i32
      %dma_start3A_197 = arith.constant 0 : i32
      %dma_start3A_198 = arith.constant 0 : i32
      %dma_start3A_199 = tpu.memref_slice %arg7[%dma_start3A_196, %dma_start3A_197, %dma_start3A_198] : memref<4x128x64xf32, #tpu.memory_space<vmem>> -> memref<1x128x64xf32, #tpu.memory_space<vmem>>
      %dma_start3A_200 = tpu.memref_squeeze %dma_start3A_199 : memref<1x128x64xf32, #tpu.memory_space<vmem>> -> memref<128x64xf32, #tpu.memory_space<vmem>>
      %dma_start3A_201 = arith.constant 0 : i32
      %dma_start3A_202 = tpu.memref_slice %arg4[%scan3A_118, %add3A_195, %dma_start3A_201] : memref<50x16384x128xf32, #tpu.memory_space<hbm>> -> memref<1x128x64xf32, #tpu.memory_space<hbm>>
      %dma_start3A_203 = tpu.memref_squeeze %dma_start3A_202 : memref<1x128x64xf32, #tpu.memory_space<hbm>> -> memref<128x64xf32, #tpu.memory_space<hbm>>
      %dma_start3A_204 = arith.constant 0 : i32
      %dma_start3A_205 = tpu.memref_slice %arg4[%scan3A_118, %add3A_195, %dma_start3A_204] : memref<50x16384x128xf32, #tpu.memory_space<hbm>> -> memref<1x128x64xf32, #tpu.memory_space<hbm>>
      %dma_start3A_206 = tpu.memref_squeeze %dma_start3A_205 : memref<1x128x64xf32, #tpu.memory_space<hbm>> -> memref<128x64xf32, #tpu.memory_space<hbm>>
      %dma_start3A_207 = arith.constant 0 : i32
      %dma_start3A_208 = arith.constant 0 : i32
      %dma_start3A_209 = tpu.memref_slice %arg7[%dma_start3A_196, %dma_start3A_207, %dma_start3A_208] : memref<4x128x64xf32, #tpu.memory_space<vmem>> -> memref<1x128x64xf32, #tpu.memory_space<vmem>>
      %dma_start3A_210 = tpu.memref_squeeze %dma_start3A_209 : memref<1x128x64xf32, #tpu.memory_space<vmem>> -> memref<128x64xf32, #tpu.memory_space<vmem>>
      tpu.enqueue_dma source(%dma_start3A_210 : memref<128x64xf32, #tpu.memory_space<vmem>>) target(%dma_start3A_206 : memref<128x64xf32, #tpu.memory_space<hbm>>) target_semaphore(%arg14 : memref<!tpu.dma_semaphore, #tpu.memory_space<semaphore_mem>>)
      %add3A_211 = arith.constant 1 : i32
      %add3A_212 = arith.addi %scan3A_118, %add3A_211 : i32
      %lt3A_213 = arith.constant 50 : i32
      %lt3A_214 = arith.cmpi slt, %add3A_212, %lt3A_213 : i32
      %convert_element_type3A_215 = arith.extui %lt3A_214 : i1 to i32
      %cond3A_216 = arith.constant 0 : i32
      %cond3A_217 = arith.cmpi ne, %convert_element_type3A_215, %cond3A_216 : i32
      scf.if %cond3A_217 {
        %dma_wait3A_252 = arith.constant 2 : i32
        %dma_wait3A_253 = arith.constant 0 : i32
        %dma_wait3A_254 = arith.constant 0 : i32
        %dma_wait3A_255 = arith.constant 0 : i32
        %dma_wait3A_256 = tpu.memref_slice %arg7[%dma_wait3A_252, %dma_wait3A_254, %dma_wait3A_255] : memref<4x128x64xf32, #tpu.memory_space<vmem>> -> memref<1x128x64xf32, #tpu.memory_space<vmem>>
        %dma_wait3A_257 = tpu.memref_squeeze %dma_wait3A_256 : memref<1x128x64xf32, #tpu.memory_space<vmem>> -> memref<128x64xf32, #tpu.memory_space<vmem>>
        %dma_wait3A_258 = arith.constant 0 : i32
        %dma_wait3A_259 = arith.constant 0 : i32
        %dma_wait3A_260 = tpu.memref_slice %arg4[%dma_wait3A_253, %dma_wait3A_258, %dma_wait3A_259] : memref<50x16384x128xf32, #tpu.memory_space<hbm>> -> memref<1x128x64xf32, #tpu.memory_space<hbm>>
        %dma_wait3A_261 = tpu.memref_squeeze %dma_wait3A_260 : memref<1x128x64xf32, #tpu.memory_space<hbm>> -> memref<128x64xf32, #tpu.memory_space<hbm>>
        %dma_wait3A_262 = arith.constant 0 : i32
        %dma_wait3A_263 = arith.constant 0 : i32
        %dma_wait3A_264 = tpu.memref_slice %arg4[%dma_wait3A_253, %dma_wait3A_262, %dma_wait3A_263] : memref<50x16384x128xf32, #tpu.memory_space<hbm>> -> memref<1x128x64xf32, #tpu.memory_space<hbm>>
        %dma_wait3A_265 = tpu.memref_squeeze %dma_wait3A_264 : memref<1x128x64xf32, #tpu.memory_space<hbm>> -> memref<128x64xf32, #tpu.memory_space<hbm>>
        %dma_wait3A_266 = arith.constant 0 : i32
        %dma_wait3A_267 = arith.constant 0 : i32
        %dma_wait3A_268 = tpu.memref_slice %arg7[%dma_wait3A_252, %dma_wait3A_266, %dma_wait3A_267] : memref<4x128x64xf32, #tpu.memory_space<vmem>> -> memref<1x128x64xf32, #tpu.memory_space<vmem>>
        %dma_wait3A_269 = tpu.memref_squeeze %dma_wait3A_268 : memref<1x128x64xf32, #tpu.memory_space<vmem>> -> memref<128x64xf32, #tpu.memory_space<vmem>>
        tpu.wait_dma2 semaphore(%arg14 : memref<!tpu.dma_semaphore, #tpu.memory_space<semaphore_mem>>) src(%dma_wait3A_269 : memref<128x64xf32, #tpu.memory_space<vmem>>) dst(%dma_wait3A_265 : memref<128x64xf32, #tpu.memory_space<hbm>>)
        %add3A_270 = arith.constant 1 : i32
        %add3A_271 = arith.addi %scan3A_118, %add3A_270 : i32
        %mul3A_272 = arith.constant 512 : i32
        %mul3A_273 = arith.muli %add3A_271, %mul3A_272 : i32
        %add3A_274 = arith.constant 256 : i32
        %add3A_275 = arith.addi %mul3A_273, %add3A_274 : i32
        %dma_start3A_276 = arith.constant 2 : i32
        %dma_start3A_277 = arith.constant 0 : i32
        %dma_start3A_278 = arith.constant 0 : i32
        %dma_start3A_279 = tpu.memref_slice %arg7[%dma_start3A_276, %dma_start3A_277, %dma_start3A_278] : memref<4x128x64xf32, #tpu.memory_space<vmem>> -> memref<1x128x64xf32, #tpu.memory_space<vmem>>
        %dma_start3A_280 = tpu.memref_squeeze %dma_start3A_279 : memref<1x128x64xf32, #tpu.memory_space<vmem>> -> memref<128x64xf32, #tpu.memory_space<vmem>>
        %dma_start3A_281 = tpu.memref_slice %arg6[%add3A_275] : memref<25600xi32, #tpu.memory_space<vmem>> -> memref<128xi32, #tpu.memory_space<vmem>>
        %dma_start3A_282 = arith.constant 0 : i32
        %dma_start3A_283 = arith.constant 0 : i32
        %dma_start3A_284 = tpu.memref_slice %arg2[%dma_start3A_282, %dma_start3A_283] : memref<100000x64xf32, #tpu.memory_space<hbm>> -> memref<100000x64xf32, #tpu.memory_space<hbm>>
        tpu.enqueue_indirect_dma source(%dma_start3A_284 : memref<100000x64xf32, #tpu.memory_space<hbm>>) target(%dma_start3A_280 : memref<128x64xf32, #tpu.memory_space<vmem>>) offsets(%dma_start3A_281 : memref<128xi32, #tpu.memory_space<vmem>>) semaphore(%arg10 : memref<!tpu.dma_semaphore, #tpu.memory_space<semaphore_mem>>)
      } else {
      }
      %dma_wait3A_218 = arith.constant 3 : i32
      %dma_wait3A_219 = arith.constant 0 : i32
      %dma_wait3A_220 = arith.constant 0 : i32
      %dma_wait3A_221 = tpu.memref_slice %arg7[%dma_wait3A_218, %dma_wait3A_219, %dma_wait3A_220] : memref<4x128x64xf32, #tpu.memory_space<vmem>> -> memref<1x128x64xf32, #tpu.memory_space<vmem>>
      %dma_wait3A_222 = tpu.memref_squeeze %dma_wait3A_221 : memref<1x128x64xf32, #tpu.memory_space<vmem>> -> memref<128x64xf32, #tpu.memory_space<vmem>>
      %dma_wait3A_223 = arith.constant 0 : i32
      %dma_wait3A_224 = tpu.memref_slice %arg6[%dma_wait3A_223] : memref<25600xi32, #tpu.memory_space<vmem>> -> memref<128xi32, #tpu.memory_space<vmem>>
      %dma_wait3A_225 = arith.constant 0 : i32
      %dma_wait3A_226 = arith.constant 0 : i32
      %dma_wait3A_227 = tpu.memref_slice %arg2[%dma_wait3A_225, %dma_wait3A_226] : memref<100000x64xf32, #tpu.memory_space<hbm>> -> memref<100000x64xf32, #tpu.memory_space<hbm>>
      tpu.wait_indirect_dma semaphore(%arg11 : memref<!tpu.dma_semaphore, #tpu.memory_space<semaphore_mem>>) src(%dma_wait3A_227 : memref<100000x64xf32, #tpu.memory_space<hbm>>) dst(%dma_wait3A_222 : memref<128x64xf32, #tpu.memory_space<vmem>>)
      %add3A_228 = arith.constant 384 : i32
      %add3A_229 = arith.addi %mul3A_2, %add3A_228 : i32
      %dma_start3A_230 = arith.constant 3 : i32
      %dma_start3A_231 = arith.constant 0 : i32
      %dma_start3A_232 = arith.constant 0 : i32
      %dma_start3A_233 = tpu.memref_slice %arg7[%dma_start3A_230, %dma_start3A_231, %dma_start3A_232] : memref<4x128x64xf32, #tpu.memory_space<vmem>> -> memref<1x128x64xf32, #tpu.memory_space<vmem>>
      %dma_start3A_234 = tpu.memref_squeeze %dma_start3A_233 : memref<1x128x64xf32, #tpu.memory_space<vmem>> -> memref<128x64xf32, #tpu.memory_space<vmem>>
      %dma_start3A_235 = arith.constant 0 : i32
      %dma_start3A_236 = tpu.memref_slice %arg4[%scan3A_118, %add3A_229, %dma_start3A_235] : memref<50x16384x128xf32, #tpu.memory_space<hbm>> -> memref<1x128x64xf32, #tpu.memory_space<hbm>>
      %dma_start3A_237 = tpu.memref_squeeze %dma_start3A_236 : memref<1x128x64xf32, #tpu.memory_space<hbm>> -> memref<128x64xf32, #tpu.memory_space<hbm>>
      %dma_start3A_238 = arith.constant 0 : i32
      %dma_start3A_239 = tpu.memref_slice %arg4[%scan3A_118, %add3A_229, %dma_start3A_238] : memref<50x16384x128xf32, #tpu.memory_space<hbm>> -> memref<1x128x64xf32, #tpu.memory_space<hbm>>
      %dma_start3A_240 = tpu.memref_squeeze %dma_start3A_239 : memref<1x128x64xf32, #tpu.memory_space<hbm>> -> memref<128x64xf32, #tpu.memory_space<hbm>>
      %dma_start3A_241 = arith.constant 0 : i32
      %dma_start3A_242 = arith.constant 0 : i32
      %dma_start3A_243 = tpu.memref_slice %arg7[%dma_start3A_230, %dma_start3A_241, %dma_start3A_242] : memref<4x128x64xf32, #tpu.memory_space<vmem>> -> memref<1x128x64xf32, #tpu.memory_space<vmem>>
      %dma_start3A_244 = tpu.memref_squeeze %dma_start3A_243 : memref<1x128x64xf32, #tpu.memory_space<vmem>> -> memref<128x64xf32, #tpu.memory_space<vmem>>
      tpu.enqueue_dma source(%dma_start3A_244 : memref<128x64xf32, #tpu.memory_space<vmem>>) target(%dma_start3A_240 : memref<128x64xf32, #tpu.memory_space<hbm>>) target_semaphore(%arg15 : memref<!tpu.dma_semaphore, #tpu.memory_space<semaphore_mem>>)
      %add3A_245 = arith.constant 1 : i32
      %add3A_246 = arith.addi %scan3A_118, %add3A_245 : i32
      %lt3A_247 = arith.constant 50 : i32
      %lt3A_248 = arith.cmpi slt, %add3A_246, %lt3A_247 : i32
      %convert_element_type3A_249 = arith.extui %lt3A_248 : i1 to i32
      %cond3A_250 = arith.constant 0 : i32
      %cond3A_251 = arith.cmpi ne, %convert_element_type3A_249, %cond3A_250 : i32
      scf.if %cond3A_251 {
        %dma_wait3A_252 = arith.constant 3 : i32
        %dma_wait3A_253 = arith.constant 0 : i32
        %dma_wait3A_254 = arith.constant 0 : i32
        %dma_wait3A_255 = arith.constant 0 : i32
        %dma_wait3A_256 = tpu.memref_slice %arg7[%dma_wait3A_252, %dma_wait3A_254, %dma_wait3A_255] : memref<4x128x64xf32, #tpu.memory_space<vmem>> -> memref<1x128x64xf32, #tpu.memory_space<vmem>>
        %dma_wait3A_257 = tpu.memref_squeeze %dma_wait3A_256 : memref<1x128x64xf32, #tpu.memory_space<vmem>> -> memref<128x64xf32, #tpu.memory_space<vmem>>
        %dma_wait3A_258 = arith.constant 0 : i32
        %dma_wait3A_259 = arith.constant 0 : i32
        %dma_wait3A_260 = tpu.memref_slice %arg4[%dma_wait3A_253, %dma_wait3A_258, %dma_wait3A_259] : memref<50x16384x128xf32, #tpu.memory_space<hbm>> -> memref<1x128x64xf32, #tpu.memory_space<hbm>>
        %dma_wait3A_261 = tpu.memref_squeeze %dma_wait3A_260 : memref<1x128x64xf32, #tpu.memory_space<hbm>> -> memref<128x64xf32, #tpu.memory_space<hbm>>
        %dma_wait3A_262 = arith.constant 0 : i32
        %dma_wait3A_263 = arith.constant 0 : i32
        %dma_wait3A_264 = tpu.memref_slice %arg4[%dma_wait3A_253, %dma_wait3A_262, %dma_wait3A_263] : memref<50x16384x128xf32, #tpu.memory_space<hbm>> -> memref<1x128x64xf32, #tpu.memory_space<hbm>>
        %dma_wait3A_265 = tpu.memref_squeeze %dma_wait3A_264 : memref<1x128x64xf32, #tpu.memory_space<hbm>> -> memref<128x64xf32, #tpu.memory_space<hbm>>
        %dma_wait3A_266 = arith.constant 0 : i32
        %dma_wait3A_267 = arith.constant 0 : i32
        %dma_wait3A_268 = tpu.memref_slice %arg7[%dma_wait3A_252, %dma_wait3A_266, %dma_wait3A_267] : memref<4x128x64xf32, #tpu.memory_space<vmem>> -> memref<1x128x64xf32, #tpu.memory_space<vmem>>
        %dma_wait3A_269 = tpu.memref_squeeze %dma_wait3A_268 : memref<1x128x64xf32, #tpu.memory_space<vmem>> -> memref<128x64xf32, #tpu.memory_space<vmem>>
        tpu.wait_dma2 semaphore(%arg15 : memref<!tpu.dma_semaphore, #tpu.memory_space<semaphore_mem>>) src(%dma_wait3A_269 : memref<128x64xf32, #tpu.memory_space<vmem>>) dst(%dma_wait3A_265 : memref<128x64xf32, #tpu.memory_space<hbm>>)
        %add3A_270 = arith.constant 1 : i32
        %add3A_271 = arith.addi %scan3A_118, %add3A_270 : i32
        %mul3A_272 = arith.constant 512 : i32
        %mul3A_273 = arith.muli %add3A_271, %mul3A_272 : i32
        %add3A_274 = arith.constant 384 : i32
        %add3A_275 = arith.addi %mul3A_273, %add3A_274 : i32
        %dma_start3A_276 = arith.constant 3 : i32
        %dma_start3A_277 = arith.constant 0 : i32
        %dma_start3A_278 = arith.constant 0 : i32
        %dma_start3A_279 = tpu.memref_slice %arg7[%dma_start3A_276, %dma_start3A_277, %dma_start3A_278] : memref<4x128x64xf32, #tpu.memory_space<vmem>> -> memref<1x128x64xf32, #tpu.memory_space<vmem>>
        %dma_start3A_280 = tpu.memref_squeeze %dma_start3A_279 : memref<1x128x64xf32, #tpu.memory_space<vmem>> -> memref<128x64xf32, #tpu.memory_space<vmem>>
        %dma_start3A_281 = tpu.memref_slice %arg6[%add3A_275] : memref<25600xi32, #tpu.memory_space<vmem>> -> memref<128xi32, #tpu.memory_space<vmem>>
        %dma_start3A_282 = arith.constant 0 : i32
        %dma_start3A_283 = arith.constant 0 : i32
        %dma_start3A_284 = tpu.memref_slice %arg2[%dma_start3A_282, %dma_start3A_283] : memref<100000x64xf32, #tpu.memory_space<hbm>> -> memref<100000x64xf32, #tpu.memory_space<hbm>>
        tpu.enqueue_indirect_dma source(%dma_start3A_284 : memref<100000x64xf32, #tpu.memory_space<hbm>>) target(%dma_start3A_280 : memref<128x64xf32, #tpu.memory_space<vmem>>) offsets(%dma_start3A_281 : memref<128xi32, #tpu.memory_space<vmem>>) semaphore(%arg11 : memref<!tpu.dma_semaphore, #tpu.memory_space<semaphore_mem>>)
      } else {
      }
    }
    %scan3A_46 = arith.constant 50 : i32
    %dma_wait3A = arith.constant 0 : i32
    %dma_wait3A_47 = arith.constant 0 : i32
    %dma_wait3A_48 = arith.constant 0 : i32
    %dma_wait3A_49 = arith.constant 0 : i32
    %dma_wait3A_50 = tpu.memref_slice %arg7[%dma_wait3A, %dma_wait3A_48, %dma_wait3A_49] : memref<4x128x64xf32, #tpu.memory_space<vmem>> -> memref<1x128x64xf32, #tpu.memory_space<vmem>>
    %dma_wait3A_51 = tpu.memref_squeeze %dma_wait3A_50 : memref<1x128x64xf32, #tpu.memory_space<vmem>> -> memref<128x64xf32, #tpu.memory_space<vmem>>
    %dma_wait3A_52 = arith.constant 0 : i32
    %dma_wait3A_53 = arith.constant 0 : i32
    %dma_wait3A_54 = tpu.memref_slice %arg4[%dma_wait3A_47, %dma_wait3A_52, %dma_wait3A_53] : memref<50x16384x128xf32, #tpu.memory_space<hbm>> -> memref<1x128x64xf32, #tpu.memory_space<hbm>>
    %dma_wait3A_55 = tpu.memref_squeeze %dma_wait3A_54 : memref<1x128x64xf32, #tpu.memory_space<hbm>> -> memref<128x64xf32, #tpu.memory_space<hbm>>
    %dma_wait3A_56 = arith.constant 0 : i32
    %dma_wait3A_57 = arith.constant 0 : i32
    %dma_wait3A_58 = tpu.memref_slice %arg4[%dma_wait3A_47, %dma_wait3A_56, %dma_wait3A_57] : memref<50x16384x128xf32, #tpu.memory_space<hbm>> -> memref<1x128x64xf32, #tpu.memory_space<hbm>>
    %dma_wait3A_59 = tpu.memref_squeeze %dma_wait3A_58 : memref<1x128x64xf32, #tpu.memory_space<hbm>> -> memref<128x64xf32, #tpu.memory_space<hbm>>
    %dma_wait3A_60 = arith.constant 0 : i32
    %dma_wait3A_61 = arith.constant 0 : i32
    %dma_wait3A_62 = tpu.memref_slice %arg7[%dma_wait3A, %dma_wait3A_60, %dma_wait3A_61] : memref<4x128x64xf32, #tpu.memory_space<vmem>> -> memref<1x128x64xf32, #tpu.memory_space<vmem>>
    %dma_wait3A_63 = tpu.memref_squeeze %dma_wait3A_62 : memref<1x128x64xf32, #tpu.memory_space<vmem>> -> memref<128x64xf32, #tpu.memory_space<vmem>>
    tpu.wait_dma2 semaphore(%arg12 : memref<!tpu.dma_semaphore, #tpu.memory_space<semaphore_mem>>) src(%dma_wait3A_63 : memref<128x64xf32, #tpu.memory_space<vmem>>) dst(%dma_wait3A_59 : memref<128x64xf32, #tpu.memory_space<hbm>>)
    %dma_wait3A_64 = arith.constant 1 : i32
    %dma_wait3A_65 = arith.constant 0 : i32
    %dma_wait3A_66 = arith.constant 0 : i32
    %dma_wait3A_67 = arith.constant 0 : i32
    %dma_wait3A_68 = tpu.memref_slice %arg7[%dma_wait3A_64, %dma_wait3A_66, %dma_wait3A_67] : memref<4x128x64xf32, #tpu.memory_space<vmem>> -> memref<1x128x64xf32, #tpu.memory_space<vmem>>
    %dma_wait3A_69 = tpu.memref_squeeze %dma_wait3A_68 : memref<1x128x64xf32, #tpu.memory_space<vmem>> -> memref<128x64xf32, #tpu.memory_space<vmem>>
    %dma_wait3A_70 = arith.constant 0 : i32
    %dma_wait3A_71 = arith.constant 0 : i32
    %dma_wait3A_72 = tpu.memref_slice %arg4[%dma_wait3A_65, %dma_wait3A_70, %dma_wait3A_71] : memref<50x16384x128xf32, #tpu.memory_space<hbm>> -> memref<1x128x64xf32, #tpu.memory_space<hbm>>
    %dma_wait3A_73 = tpu.memref_squeeze %dma_wait3A_72 : memref<1x128x64xf32, #tpu.memory_space<hbm>> -> memref<128x64xf32, #tpu.memory_space<hbm>>
    %dma_wait3A_74 = arith.constant 0 : i32
    %dma_wait3A_75 = arith.constant 0 : i32
    %dma_wait3A_76 = tpu.memref_slice %arg4[%dma_wait3A_65, %dma_wait3A_74, %dma_wait3A_75] : memref<50x16384x128xf32, #tpu.memory_space<hbm>> -> memref<1x128x64xf32, #tpu.memory_space<hbm>>
    %dma_wait3A_77 = tpu.memref_squeeze %dma_wait3A_76 : memref<1x128x64xf32, #tpu.memory_space<hbm>> -> memref<128x64xf32, #tpu.memory_space<hbm>>
    %dma_wait3A_78 = arith.constant 0 : i32
    %dma_wait3A_79 = arith.constant 0 : i32
    %dma_wait3A_80 = tpu.memref_slice %arg7[%dma_wait3A_64, %dma_wait3A_78, %dma_wait3A_79] : memref<4x128x64xf32, #tpu.memory_space<vmem>> -> memref<1x128x64xf32, #tpu.memory_space<vmem>>
    %dma_wait3A_81 = tpu.memref_squeeze %dma_wait3A_80 : memref<1x128x64xf32, #tpu.memory_space<vmem>> -> memref<128x64xf32, #tpu.memory_space<vmem>>
    tpu.wait_dma2 semaphore(%arg13 : memref<!tpu.dma_semaphore, #tpu.memory_space<semaphore_mem>>) src(%dma_wait3A_81 : memref<128x64xf32, #tpu.memory_space<vmem>>) dst(%dma_wait3A_77 : memref<128x64xf32, #tpu.memory_space<hbm>>)
    %dma_wait3A_82 = arith.constant 2 : i32
    %dma_wait3A_83 = arith.constant 0 : i32
    %dma_wait3A_84 = arith.constant 0 : i32
    %dma_wait3A_85 = arith.constant 0 : i32
    %dma_wait3A_86 = tpu.memref_slice %arg7[%dma_wait3A_82, %dma_wait3A_84, %dma_wait3A_85] : memref<4x128x64xf32, #tpu.memory_space<vmem>> -> memref<1x128x64xf32, #tpu.memory_space<vmem>>
    %dma_wait3A_87 = tpu.memref_squeeze %dma_wait3A_86 : memref<1x128x64xf32, #tpu.memory_space<vmem>> -> memref<128x64xf32, #tpu.memory_space<vmem>>
    %dma_wait3A_88 = arith.constant 0 : i32
    %dma_wait3A_89 = arith.constant 0 : i32
    %dma_wait3A_90 = tpu.memref_slice %arg4[%dma_wait3A_83, %dma_wait3A_88, %dma_wait3A_89] : memref<50x16384x128xf32, #tpu.memory_space<hbm>> -> memref<1x128x64xf32, #tpu.memory_space<hbm>>
    %dma_wait3A_91 = tpu.memref_squeeze %dma_wait3A_90 : memref<1x128x64xf32, #tpu.memory_space<hbm>> -> memref<128x64xf32, #tpu.memory_space<hbm>>
    %dma_wait3A_92 = arith.constant 0 : i32
    %dma_wait3A_93 = arith.constant 0 : i32
    %dma_wait3A_94 = tpu.memref_slice %arg4[%dma_wait3A_83, %dma_wait3A_92, %dma_wait3A_93] : memref<50x16384x128xf32, #tpu.memory_space<hbm>> -> memref<1x128x64xf32, #tpu.memory_space<hbm>>
    %dma_wait3A_95 = tpu.memref_squeeze %dma_wait3A_94 : memref<1x128x64xf32, #tpu.memory_space<hbm>> -> memref<128x64xf32, #tpu.memory_space<hbm>>
    %dma_wait3A_96 = arith.constant 0 : i32
    %dma_wait3A_97 = arith.constant 0 : i32
    %dma_wait3A_98 = tpu.memref_slice %arg7[%dma_wait3A_82, %dma_wait3A_96, %dma_wait3A_97] : memref<4x128x64xf32, #tpu.memory_space<vmem>> -> memref<1x128x64xf32, #tpu.memory_space<vmem>>
    %dma_wait3A_99 = tpu.memref_squeeze %dma_wait3A_98 : memref<1x128x64xf32, #tpu.memory_space<vmem>> -> memref<128x64xf32, #tpu.memory_space<vmem>>
    tpu.wait_dma2 semaphore(%arg14 : memref<!tpu.dma_semaphore, #tpu.memory_space<semaphore_mem>>) src(%dma_wait3A_99 : memref<128x64xf32, #tpu.memory_space<vmem>>) dst(%dma_wait3A_95 : memref<128x64xf32, #tpu.memory_space<hbm>>)
    %dma_wait3A_100 = arith.constant 3 : i32
    %dma_wait3A_101 = arith.constant 0 : i32
    %dma_wait3A_102 = arith.constant 0 : i32
    %dma_wait3A_103 = arith.constant 0 : i32
    %dma_wait3A_104 = tpu.memref_slice %arg7[%dma_wait3A_100, %dma_wait3A_102, %dma_wait3A_103] : memref<4x128x64xf32, #tpu.memory_space<vmem>> -> memref<1x128x64xf32, #tpu.memory_space<vmem>>
    %dma_wait3A_105 = tpu.memref_squeeze %dma_wait3A_104 : memref<1x128x64xf32, #tpu.memory_space<vmem>> -> memref<128x64xf32, #tpu.memory_space<vmem>>
    %dma_wait3A_106 = arith.constant 0 : i32
    %dma_wait3A_107 = arith.constant 0 : i32
    %dma_wait3A_108 = tpu.memref_slice %arg4[%dma_wait3A_101, %dma_wait3A_106, %dma_wait3A_107] : memref<50x16384x128xf32, #tpu.memory_space<hbm>> -> memref<1x128x64xf32, #tpu.memory_space<hbm>>
    %dma_wait3A_109 = tpu.memref_squeeze %dma_wait3A_108 : memref<1x128x64xf32, #tpu.memory_space<hbm>> -> memref<128x64xf32, #tpu.memory_space<hbm>>
    %dma_wait3A_110 = arith.constant 0 : i32
    %dma_wait3A_111 = arith.constant 0 : i32
    %dma_wait3A_112 = tpu.memref_slice %arg4[%dma_wait3A_101, %dma_wait3A_110, %dma_wait3A_111] : memref<50x16384x128xf32, #tpu.memory_space<hbm>> -> memref<1x128x64xf32, #tpu.memory_space<hbm>>
    %dma_wait3A_113 = tpu.memref_squeeze %dma_wait3A_112 : memref<1x128x64xf32, #tpu.memory_space<hbm>> -> memref<128x64xf32, #tpu.memory_space<hbm>>
    %dma_wait3A_114 = arith.constant 0 : i32
    %dma_wait3A_115 = arith.constant 0 : i32
    %dma_wait3A_116 = tpu.memref_slice %arg7[%dma_wait3A_100, %dma_wait3A_114, %dma_wait3A_115] : memref<4x128x64xf32, #tpu.memory_space<vmem>> -> memref<1x128x64xf32, #tpu.memory_space<vmem>>
    %dma_wait3A_117 = tpu.memref_squeeze %dma_wait3A_116 : memref<1x128x64xf32, #tpu.memory_space<vmem>> -> memref<128x64xf32, #tpu.memory_space<vmem>>
    tpu.wait_dma2 semaphore(%arg15 : memref<!tpu.dma_semaphore, #tpu.memory_space<semaphore_mem>>) src(%dma_wait3A_117 : memref<128x64xf32, #tpu.memory_space<vmem>>) dst(%dma_wait3A_113 : memref<128x64xf32, #tpu.memory_space<hbm>>)
    return
  }
}

#map = affine_map<(d0, d1) -> (0, 0)>
#map1 = affine_map<(d0, d1) -> (0, 0, 0)>
module attributes {stable_mosaic.version = 14 : i64} {
  func.func @new_body(%arg0: i32, %arg1: i32, %arg2: memref<100000x64xf32, #tpu.memory_space<hbm>>, %arg3: memref<32x25600xi32, #tpu.memory_space<hbm>>, %arg4: memref<50x16384x128xf32, #tpu.memory_space<hbm>>, %arg5: memref<50x16384x128xf32, #tpu.memory_space<hbm>>, %arg6: memref<25600xi32, #tpu.memory_space<vmem>>, %arg7: memref<4x128x64xf32, #tpu.memory_space<vmem>>, %arg8: memref<!tpu.dma_semaphore, #tpu.memory_space<semaphore_mem>>, %arg9: memref<!tpu.dma_semaphore, #tpu.memory_space<semaphore_mem>>, %arg10: memref<!tpu.dma_semaphore, #tpu.memory_space<semaphore_mem>>, %arg11: memref<!tpu.dma_semaphore, #tpu.memory_space<semaphore_mem>>, %arg12: memref<!tpu.dma_semaphore, #tpu.memory_space<semaphore_mem>>, %arg13: memref<!tpu.dma_semaphore, #tpu.memory_space<semaphore_mem>>, %arg14: memref<!tpu.dma_semaphore, #tpu.memory_space<semaphore_mem>>, %arg15: memref<!tpu.dma_semaphore, #tpu.memory_space<semaphore_mem>>) attributes {dimension_semantics = [#tpu.dimension_semantics<core_parallel>, #tpu.dimension_semantics<subcore_parallel>], iteration_bounds = array<i64: 2, 16>, scalar_prefetch = 0 : i64, scratch_operands = 10 : i64, tpu.core_type = #tpu.core_type<sc_vector_subcore>, window_params = [{transform_indices = #map}, {transform_indices = #map}, {transform_indices = #map1}, {transform_indices = #map1}]} {
    %mul3A = arith.constant 2 : i32
    %mul3A_0 = arith.muli %arg1, %mul3A : i32
    %add3A = arith.addi %mul3A_0, %arg0 : i32
    %mul3A_1 = arith.constant 512 : i32
    %mul3A_2 = arith.muli %add3A, %mul3A_1 : i32
    "tpu.region"() ({
      %run_scoped3A = tpu.sem_alloc : memref<!tpu.dma_semaphore, #tpu.memory_space<semaphore_mem>>
      %dma_start3A_118 = arith.constant 0 : i32
      %dma_start3A_119 = tpu.memref_slice %arg3[%add3A, %dma_start3A_118] : memref<32x25600xi32, #tpu.memory_space<hbm>> -> memref<1x25600xi32, #tpu.memory_space<hbm>>
      %dma_start3A_120 = tpu.memref_squeeze %dma_start3A_119 : memref<1x25600xi32, #tpu.memory_space<hbm>> -> memref<25600xi32, #tpu.memory_space<hbm>>
      %dma_start3A_121 = arith.constant 0 : i32
      %dma_start3A_122 = tpu.memref_slice %arg3[%add3A, %dma_start3A_121] : memref<32x25600xi32, #tpu.memory_space<hbm>> -> memref<1x25600xi32, #tpu.memory_space<hbm>>
      %dma_start3A_123 = tpu.memref_squeeze %dma_start3A_122 : memref<1x25600xi32, #tpu.memory_space<hbm>> -> memref<25600xi32, #tpu.memory_space<hbm>>
      tpu.enqueue_dma source(%dma_start3A_123 : memref<25600xi32, #tpu.memory_space<hbm>>) target(%arg6 : memref<25600xi32, #tpu.memory_space<vmem>>) target_semaphore(%run_scoped3A : memref<!tpu.dma_semaphore, #tpu.memory_space<semaphore_mem>>)
      %dma_wait3A_124 = arith.constant 0 : i32
      %dma_wait3A_125 = tpu.memref_slice %arg3[%add3A, %dma_wait3A_124] : memref<32x25600xi32, #tpu.memory_space<hbm>> -> memref<1x25600xi32, #tpu.memory_space<hbm>>
      %dma_wait3A_126 = tpu.memref_squeeze %dma_wait3A_125 : memref<1x25600xi32, #tpu.memory_space<hbm>> -> memref<25600xi32, #tpu.memory_space<hbm>>
      %dma_wait3A_127 = arith.constant 0 : i32
      %dma_wait3A_128 = tpu.memref_slice %arg3[%add3A, %dma_wait3A_127] : memref<32x25600xi32, #tpu.memory_space<hbm>> -> memref<1x25600xi32, #tpu.memory_space<hbm>>
      %dma_wait3A_129 = tpu.memref_squeeze %dma_wait3A_128 : memref<1x25600xi32, #tpu.memory_space<hbm>> -> memref<25600xi32, #tpu.memory_space<hbm>>
      tpu.wait_dma2 semaphore(%run_scoped3A : memref<!tpu.dma_semaphore, #tpu.memory_space<semaphore_mem>>) src(%dma_wait3A_129 : memref<25600xi32, #tpu.memory_space<hbm>>) dst(%arg6 : memref<25600xi32, #tpu.memory_space<vmem>>)
      tpu.yield
    }) : () -> ()
    %dma_start3A = arith.constant 0 : i32
    %dma_start3A_3 = arith.constant 0 : i32
    %dma_start3A_4 = arith.constant 0 : i32
    %dma_start3A_5 = tpu.memref_slice %arg7[%dma_start3A, %dma_start3A_3, %dma_start3A_4] : memref<4x128x64xf32, #tpu.memory_space<vmem>> -> memref<1x128x64xf32, #tpu.memory_space<vmem>>
    %dma_start3A_6 = tpu.memref_squeeze %dma_start3A_5 : memref<1x128x64xf32, #tpu.memory_space<vmem>> -> memref<128x64xf32, #tpu.memory_space<vmem>>
    %dma_start3A_7 = arith.constant 0 : i32
    %dma_start3A_8 = tpu.memref_slice %arg6[%dma_start3A_7] : memref<25600xi32, #tpu.memory_space<vmem>> -> memref<128xi32, #tpu.memory_space<vmem>>
    %dma_start3A_9 = arith.constant 0 : i32
    %dma_start3A_10 = arith.constant 0 : i32
    %dma_start3A_11 = tpu.memref_slice %arg2[%dma_start3A_9, %dma_start3A_10] : memref<100000x64xf32, #tpu.memory_space<hbm>> -> memref<100000x64xf32, #tpu.memory_space<hbm>>
    tpu.enqueue_indirect_dma source(%dma_start3A_11 : memref<100000x64xf32, #tpu.memory_space<hbm>>) target(%dma_start3A_6 : memref<128x64xf32, #tpu.memory_space<vmem>>) offsets(%dma_start3A_8 : memref<128xi32, #tpu.memory_space<vmem>>) semaphore(%arg8 : memref<!tpu.dma_semaphore, #tpu.memory_space<semaphore_mem>>)
    %dma_start3A_12 = arith.constant 1 : i32
    %dma_start3A_13 = arith.constant 0 : i32
    %dma_start3A_14 = arith.constant 0 : i32
    %dma_start3A_15 = tpu.memref_slice %arg7[%dma_start3A_12, %dma_start3A_13, %dma_start3A_14] : memref<4x128x64xf32, #tpu.memory_space<vmem>> -> memref<1x128x64xf32, #tpu.memory_space<vmem>>
    %dma_start3A_16 = tpu.memref_squeeze %dma_start3A_15 : memref<1x128x64xf32, #tpu.memory_space<vmem>> -> memref<128x64xf32, #tpu.memory_space<vmem>>
    %dma_start3A_17 = arith.constant 128 : i32
    %dma_start3A_18 = tpu.memref_slice %arg6[%dma_start3A_17] : memref<25600xi32, #tpu.memory_space<vmem>> -> memref<128xi32, #tpu.memory_space<vmem>>
    %dma_start3A_19 = arith.constant 0 : i32
    %dma_start3A_20 = arith.constant 0 : i32
    %dma_start3A_21 = tpu.memref_slice %arg2[%dma_start3A_19, %dma_start3A_20] : memref<100000x64xf32, #tpu.memory_space<hbm>> -> memref<100000x64xf32, #tpu.memory_space<hbm>>
    tpu.enqueue_indirect_dma source(%dma_start3A_21 : memref<100000x64xf32, #tpu.memory_space<hbm>>) target(%dma_start3A_16 : memref<128x64xf32, #tpu.memory_space<vmem>>) offsets(%dma_start3A_18 : memref<128xi32, #tpu.memory_space<vmem>>) semaphore(%arg9 : memref<!tpu.dma_semaphore, #tpu.memory_space<semaphore_mem>>)
    %dma_start3A_22 = arith.constant 2 : i32
    %dma_start3A_23 = arith.constant 0 : i32
    %dma_start3A_24 = arith.constant 0 : i32
    %dma_start3A_25 = tpu.memref_slice %arg7[%dma_start3A_22, %dma_start3A_23, %dma_start3A_24] : memref<4x128x64xf32, #tpu.memory_space<vmem>> -> memref<1x128x64xf32, #tpu.memory_space<vmem>>
    %dma_start3A_26 = tpu.memref_squeeze %dma_start3A_25 : memref<1x128x64xf32, #tpu.memory_space<vmem>> -> memref<128x64xf32, #tpu.memory_space<vmem>>
    %dma_start3A_27 = arith.constant 256 : i32
    %dma_start3A_28 = tpu.memref_slice %arg6[%dma_start3A_27] : memref<25600xi32, #tpu.memory_space<vmem>> -> memref<128xi32, #tpu.memory_space<vmem>>
    %dma_start3A_29 = arith.constant 0 : i32
    %dma_start3A_30 = arith.constant 0 : i32
    %dma_start3A_31 = tpu.memref_slice %arg2[%dma_start3A_29, %dma_start3A_30] : memref<100000x64xf32, #tpu.memory_space<hbm>> -> memref<100000x64xf32, #tpu.memory_space<hbm>>
    tpu.enqueue_indirect_dma source(%dma_start3A_31 : memref<100000x64xf32, #tpu.memory_space<hbm>>) target(%dma_start3A_26 : memref<128x64xf32, #tpu.memory_space<vmem>>) offsets(%dma_start3A_28 : memref<128xi32, #tpu.memory_space<vmem>>) semaphore(%arg10 : memref<!tpu.dma_semaphore, #tpu.memory_space<semaphore_mem>>)
    %dma_start3A_32 = arith.constant 3 : i32
    %dma_start3A_33 = arith.constant 0 : i32
    %dma_start3A_34 = arith.constant 0 : i32
    %dma_start3A_35 = tpu.memref_slice %arg7[%dma_start3A_32, %dma_start3A_33, %dma_start3A_34] : memref<4x128x64xf32, #tpu.memory_space<vmem>> -> memref<1x128x64xf32, #tpu.memory_space<vmem>>
    %dma_start3A_36 = tpu.memref_squeeze %dma_start3A_35 : memref<1x128x64xf32, #tpu.memory_space<vmem>> -> memref<128x64xf32, #tpu.memory_space<vmem>>
    %dma_start3A_37 = arith.constant 384 : i32
    %dma_start3A_38 = tpu.memref_slice %arg6[%dma_start3A_37] : memref<25600xi32, #tpu.memory_space<vmem>> -> memref<128xi32, #tpu.memory_space<vmem>>
    %dma_start3A_39 = arith.constant 0 : i32
    %dma_start3A_40 = arith.constant 0 : i32
    %dma_start3A_41 = tpu.memref_slice %arg2[%dma_start3A_39, %dma_start3A_40] : memref<100000x64xf32, #tpu.memory_space<hbm>> -> memref<100000x64xf32, #tpu.memory_space<hbm>>
    tpu.enqueue_indirect_dma source(%dma_start3A_41 : memref<100000x64xf32, #tpu.memory_space<hbm>>) target(%dma_start3A_36 : memref<128x64xf32, #tpu.memory_space<vmem>>) offsets(%dma_start3A_38 : memref<128xi32, #tpu.memory_space<vmem>>) semaphore(%arg11 : memref<!tpu.dma_semaphore, #tpu.memory_space<semaphore_mem>>)
    %scan3A = arith.constant 0 : i32
    %scan3A_42 = arith.constant 0 : i32
    %scan3A_43 = arith.constant 50 : i32
    %scan3A_44 = arith.addi %scan3A_42, %scan3A_43 : i32
    %scan3A_45 = arith.constant 1 : i32
    scf.for %scan3A_118 = %scan3A_42 to %scan3A_44 step %scan3A_45  : i32 {
      %dma_wait3A_119 = arith.constant 0 : i32
      %dma_wait3A_120 = arith.constant 0 : i32
      %dma_wait3A_121 = arith.constant 0 : i32
      %dma_wait3A_122 = tpu.memref_slice %arg7[%dma_wait3A_119, %dma_wait3A_120, %dma_wait3A_121] : memref<4x128x64xf32, #tpu.memory_space<vmem>> -> memref<1x128x64xf32, #tpu.memory_space<vmem>>
      %dma_wait3A_123 = tpu.memref_squeeze %dma_wait3A_122 : memref<1x128x64xf32, #tpu.memory_space<vmem>> -> memref<128x64xf32, #tpu.memory_space<vmem>>
      %dma_wait3A_124 = arith.constant 0 : i32
      %dma_wait3A_125 = tpu.memref_slice %arg6[%dma_wait3A_124] : memref<25600xi32, #tpu.memory_space<vmem>> -> memref<128xi32, #tpu.memory_space<vmem>>
      %dma_wait3A_126 = arith.constant 0 : i32
      %dma_wait3A_127 = arith.constant 0 : i32
      %dma_wait3A_128 = tpu.memref_slice %arg2[%dma_wait3A_126, %dma_wait3A_127] : memref<100000x64xf32, #tpu.memory_space<hbm>> -> memref<100000x64xf32, #tpu.memory_space<hbm>>
      tpu.wait_indirect_dma semaphore(%arg8 : memref<!tpu.dma_semaphore, #tpu.memory_space<semaphore_mem>>) src(%dma_wait3A_128 : memref<100000x64xf32, #tpu.memory_space<hbm>>) dst(%dma_wait3A_123 : memref<128x64xf32, #tpu.memory_space<vmem>>)
      %add3A_129 = arith.constant 0 : i32
      %add3A_130 = arith.addi %mul3A_2, %add3A_129 : i32
      %dma_start3A_131 = arith.constant 0 : i32
      %dma_start3A_132 = arith.constant 0 : i32
      %dma_start3A_133 = arith.constant 0 : i32
      %dma_start3A_134 = tpu.memref_slice %arg7[%dma_start3A_131, %dma_start3A_132, %dma_start3A_133] : memref<4x128x64xf32, #tpu.memory_space<vmem>> -> memref<1x128x64xf32, #tpu.memory_space<vmem>>
      %dma_start3A_135 = tpu.memref_squeeze %dma_start3A_134 : memref<1x128x64xf32, #tpu.memory_space<vmem>> -> memref<128x64xf32, #tpu.memory_space<vmem>>
      %dma_start3A_136 = arith.constant 64 : i32
      %dma_start3A_137 = tpu.memref_slice %arg4[%scan3A_118, %add3A_130, %dma_start3A_136] : memref<50x16384x128xf32, #tpu.memory_space<hbm>> -> memref<1x128x64xf32, #tpu.memory_space<hbm>>
      %dma_start3A_138 = tpu.memref_squeeze %dma_start3A_137 : memref<1x128x64xf32, #tpu.memory_space<hbm>> -> memref<128x64xf32, #tpu.memory_space<hbm>>
      %dma_start3A_139 = arith.constant 64 : i32
      %dma_start3A_140 = tpu.memref_slice %arg4[%scan3A_118, %add3A_130, %dma_start3A_139] : memref<50x16384x128xf32, #tpu.memory_space<hbm>> -> memref<1x128x64xf32, #tpu.memory_space<hbm>>
      %dma_start3A_141 = tpu.memref_squeeze %dma_start3A_140 : memref<1x128x64xf32, #tpu.memory_space<hbm>> -> memref<128x64xf32, #tpu.memory_space<hbm>>
      %dma_start3A_142 = arith.constant 0 : i32
      %dma_start3A_143 = arith.constant 0 : i32
      %dma_start3A_144 = tpu.memref_slice %arg7[%dma_start3A_131, %dma_start3A_142, %dma_start3A_143] : memref<4x128x64xf32, #tpu.memory_space<vmem>> -> memref<1x128x64xf32, #tpu.memory_space<vmem>>
      %dma_start3A_145 = tpu.memref_squeeze %dma_start3A_144 : memref<1x128x64xf32, #tpu.memory_space<vmem>> -> memref<128x64xf32, #tpu.memory_space<vmem>>
      tpu.enqueue_dma source(%dma_start3A_145 : memref<128x64xf32, #tpu.memory_space<vmem>>) target(%dma_start3A_141 : memref<128x64xf32, #tpu.memory_space<hbm>>) target_semaphore(%arg12 : memref<!tpu.dma_semaphore, #tpu.memory_space<semaphore_mem>>)
      %add3A_146 = arith.constant 1 : i32
      %add3A_147 = arith.addi %scan3A_118, %add3A_146 : i32
      %lt3A = arith.constant 50 : i32
      %lt3A_148 = arith.cmpi slt, %add3A_147, %lt3A : i32
      %convert_element_type3A = arith.extui %lt3A_148 : i1 to i32
      %cond3A = arith.constant 0 : i32
      %cond3A_149 = arith.cmpi ne, %convert_element_type3A, %cond3A : i32
      scf.if %cond3A_149 {
        %dma_wait3A_252 = arith.constant 0 : i32
        %dma_wait3A_253 = arith.constant 0 : i32
        %dma_wait3A_254 = arith.constant 0 : i32
        %dma_wait3A_255 = arith.constant 0 : i32
        %dma_wait3A_256 = tpu.memref_slice %arg7[%dma_wait3A_252, %dma_wait3A_254, %dma_wait3A_255] : memref<4x128x64xf32, #tpu.memory_space<vmem>> -> memref<1x128x64xf32, #tpu.memory_space<vmem>>
        %dma_wait3A_257 = tpu.memref_squeeze %dma_wait3A_256 : memref<1x128x64xf32, #tpu.memory_space<vmem>> -> memref<128x64xf32, #tpu.memory_space<vmem>>
        %dma_wait3A_258 = arith.constant 0 : i32
        %dma_wait3A_259 = arith.constant 64 : i32
        %dma_wait3A_260 = tpu.memref_slice %arg4[%dma_wait3A_253, %dma_wait3A_258, %dma_wait3A_259] : memref<50x16384x128xf32, #tpu.memory_space<hbm>> -> memref<1x128x64xf32, #tpu.memory_space<hbm>>
        %dma_wait3A_261 = tpu.memref_squeeze %dma_wait3A_260 : memref<1x128x64xf32, #tpu.memory_space<hbm>> -> memref<128x64xf32, #tpu.memory_space<hbm>>
        %dma_wait3A_262 = arith.constant 0 : i32
        %dma_wait3A_263 = arith.constant 64 : i32
        %dma_wait3A_264 = tpu.memref_slice %arg4[%dma_wait3A_253, %dma_wait3A_262, %dma_wait3A_263] : memref<50x16384x128xf32, #tpu.memory_space<hbm>> -> memref<1x128x64xf32, #tpu.memory_space<hbm>>
        %dma_wait3A_265 = tpu.memref_squeeze %dma_wait3A_264 : memref<1x128x64xf32, #tpu.memory_space<hbm>> -> memref<128x64xf32, #tpu.memory_space<hbm>>
        %dma_wait3A_266 = arith.constant 0 : i32
        %dma_wait3A_267 = arith.constant 0 : i32
        %dma_wait3A_268 = tpu.memref_slice %arg7[%dma_wait3A_252, %dma_wait3A_266, %dma_wait3A_267] : memref<4x128x64xf32, #tpu.memory_space<vmem>> -> memref<1x128x64xf32, #tpu.memory_space<vmem>>
        %dma_wait3A_269 = tpu.memref_squeeze %dma_wait3A_268 : memref<1x128x64xf32, #tpu.memory_space<vmem>> -> memref<128x64xf32, #tpu.memory_space<vmem>>
        tpu.wait_dma2 semaphore(%arg12 : memref<!tpu.dma_semaphore, #tpu.memory_space<semaphore_mem>>) src(%dma_wait3A_269 : memref<128x64xf32, #tpu.memory_space<vmem>>) dst(%dma_wait3A_265 : memref<128x64xf32, #tpu.memory_space<hbm>>)
        %add3A_270 = arith.constant 1 : i32
        %add3A_271 = arith.addi %scan3A_118, %add3A_270 : i32
        %mul3A_272 = arith.constant 512 : i32
        %mul3A_273 = arith.muli %add3A_271, %mul3A_272 : i32
        %add3A_274 = arith.constant 0 : i32
        %add3A_275 = arith.addi %mul3A_273, %add3A_274 : i32
        %dma_start3A_276 = arith.constant 0 : i32
        %dma_start3A_277 = arith.constant 0 : i32
        %dma_start3A_278 = arith.constant 0 : i32
        %dma_start3A_279 = tpu.memref_slice %arg7[%dma_start3A_276, %dma_start3A_277, %dma_start3A_278] : memref<4x128x64xf32, #tpu.memory_space<vmem>> -> memref<1x128x64xf32, #tpu.memory_space<vmem>>
        %dma_start3A_280 = tpu.memref_squeeze %dma_start3A_279 : memref<1x128x64xf32, #tpu.memory_space<vmem>> -> memref<128x64xf32, #tpu.memory_space<vmem>>
        %dma_start3A_281 = tpu.memref_slice %arg6[%add3A_275] : memref<25600xi32, #tpu.memory_space<vmem>> -> memref<128xi32, #tpu.memory_space<vmem>>
        %dma_start3A_282 = arith.constant 0 : i32
        %dma_start3A_283 = arith.constant 0 : i32
        %dma_start3A_284 = tpu.memref_slice %arg2[%dma_start3A_282, %dma_start3A_283] : memref<100000x64xf32, #tpu.memory_space<hbm>> -> memref<100000x64xf32, #tpu.memory_space<hbm>>
        tpu.enqueue_indirect_dma source(%dma_start3A_284 : memref<100000x64xf32, #tpu.memory_space<hbm>>) target(%dma_start3A_280 : memref<128x64xf32, #tpu.memory_space<vmem>>) offsets(%dma_start3A_281 : memref<128xi32, #tpu.memory_space<vmem>>) semaphore(%arg8 : memref<!tpu.dma_semaphore, #tpu.memory_space<semaphore_mem>>)
      } else {
      }
      %dma_wait3A_150 = arith.constant 1 : i32
      %dma_wait3A_151 = arith.constant 0 : i32
      %dma_wait3A_152 = arith.constant 0 : i32
      %dma_wait3A_153 = tpu.memref_slice %arg7[%dma_wait3A_150, %dma_wait3A_151, %dma_wait3A_152] : memref<4x128x64xf32, #tpu.memory_space<vmem>> -> memref<1x128x64xf32, #tpu.memory_space<vmem>>
      %dma_wait3A_154 = tpu.memref_squeeze %dma_wait3A_153 : memref<1x128x64xf32, #tpu.memory_space<vmem>> -> memref<128x64xf32, #tpu.memory_space<vmem>>
      %dma_wait3A_155 = arith.constant 0 : i32
      %dma_wait3A_156 = tpu.memref_slice %arg6[%dma_wait3A_155] : memref<25600xi32, #tpu.memory_space<vmem>> -> memref<128xi32, #tpu.memory_space<vmem>>
      %dma_wait3A_157 = arith.constant 0 : i32
      %dma_wait3A_158 = arith.constant 0 : i32
      %dma_wait3A_159 = tpu.memref_slice %arg2[%dma_wait3A_157, %dma_wait3A_158] : memref<100000x64xf32, #tpu.memory_space<hbm>> -> memref<100000x64xf32, #tpu.memory_space<hbm>>
      tpu.wait_indirect_dma semaphore(%arg9 : memref<!tpu.dma_semaphore, #tpu.memory_space<semaphore_mem>>) src(%dma_wait3A_159 : memref<100000x64xf32, #tpu.memory_space<hbm>>) dst(%dma_wait3A_154 : memref<128x64xf32, #tpu.memory_space<vmem>>)
      %add3A_160 = arith.constant 128 : i32
      %add3A_161 = arith.addi %mul3A_2, %add3A_160 : i32
      %dma_start3A_162 = arith.constant 1 : i32
      %dma_start3A_163 = arith.constant 0 : i32
      %dma_start3A_164 = arith.constant 0 : i32
      %dma_start3A_165 = tpu.memref_slice %arg7[%dma_start3A_162, %dma_start3A_163, %dma_start3A_164] : memref<4x128x64xf32, #tpu.memory_space<vmem>> -> memref<1x128x64xf32, #tpu.memory_space<vmem>>
      %dma_start3A_166 = tpu.memref_squeeze %dma_start3A_165 : memref<1x128x64xf32, #tpu.memory_space<vmem>> -> memref<128x64xf32, #tpu.memory_space<vmem>>
      %dma_start3A_167 = arith.constant 64 : i32
      %dma_start3A_168 = tpu.memref_slice %arg4[%scan3A_118, %add3A_161, %dma_start3A_167] : memref<50x16384x128xf32, #tpu.memory_space<hbm>> -> memref<1x128x64xf32, #tpu.memory_space<hbm>>
      %dma_start3A_169 = tpu.memref_squeeze %dma_start3A_168 : memref<1x128x64xf32, #tpu.memory_space<hbm>> -> memref<128x64xf32, #tpu.memory_space<hbm>>
      %dma_start3A_170 = arith.constant 64 : i32
      %dma_start3A_171 = tpu.memref_slice %arg4[%scan3A_118, %add3A_161, %dma_start3A_170] : memref<50x16384x128xf32, #tpu.memory_space<hbm>> -> memref<1x128x64xf32, #tpu.memory_space<hbm>>
      %dma_start3A_172 = tpu.memref_squeeze %dma_start3A_171 : memref<1x128x64xf32, #tpu.memory_space<hbm>> -> memref<128x64xf32, #tpu.memory_space<hbm>>
      %dma_start3A_173 = arith.constant 0 : i32
      %dma_start3A_174 = arith.constant 0 : i32
      %dma_start3A_175 = tpu.memref_slice %arg7[%dma_start3A_162, %dma_start3A_173, %dma_start3A_174] : memref<4x128x64xf32, #tpu.memory_space<vmem>> -> memref<1x128x64xf32, #tpu.memory_space<vmem>>
      %dma_start3A_176 = tpu.memref_squeeze %dma_start3A_175 : memref<1x128x64xf32, #tpu.memory_space<vmem>> -> memref<128x64xf32, #tpu.memory_space<vmem>>
      tpu.enqueue_dma source(%dma_start3A_176 : memref<128x64xf32, #tpu.memory_space<vmem>>) target(%dma_start3A_172 : memref<128x64xf32, #tpu.memory_space<hbm>>) target_semaphore(%arg13 : memref<!tpu.dma_semaphore, #tpu.memory_space<semaphore_mem>>)
      %add3A_177 = arith.constant 1 : i32
      %add3A_178 = arith.addi %scan3A_118, %add3A_177 : i32
      %lt3A_179 = arith.constant 50 : i32
      %lt3A_180 = arith.cmpi slt, %add3A_178, %lt3A_179 : i32
      %convert_element_type3A_181 = arith.extui %lt3A_180 : i1 to i32
      %cond3A_182 = arith.constant 0 : i32
      %cond3A_183 = arith.cmpi ne, %convert_element_type3A_181, %cond3A_182 : i32
      scf.if %cond3A_183 {
        %dma_wait3A_252 = arith.constant 1 : i32
        %dma_wait3A_253 = arith.constant 0 : i32
        %dma_wait3A_254 = arith.constant 0 : i32
        %dma_wait3A_255 = arith.constant 0 : i32
        %dma_wait3A_256 = tpu.memref_slice %arg7[%dma_wait3A_252, %dma_wait3A_254, %dma_wait3A_255] : memref<4x128x64xf32, #tpu.memory_space<vmem>> -> memref<1x128x64xf32, #tpu.memory_space<vmem>>
        %dma_wait3A_257 = tpu.memref_squeeze %dma_wait3A_256 : memref<1x128x64xf32, #tpu.memory_space<vmem>> -> memref<128x64xf32, #tpu.memory_space<vmem>>
        %dma_wait3A_258 = arith.constant 0 : i32
        %dma_wait3A_259 = arith.constant 64 : i32
        %dma_wait3A_260 = tpu.memref_slice %arg4[%dma_wait3A_253, %dma_wait3A_258, %dma_wait3A_259] : memref<50x16384x128xf32, #tpu.memory_space<hbm>> -> memref<1x128x64xf32, #tpu.memory_space<hbm>>
        %dma_wait3A_261 = tpu.memref_squeeze %dma_wait3A_260 : memref<1x128x64xf32, #tpu.memory_space<hbm>> -> memref<128x64xf32, #tpu.memory_space<hbm>>
        %dma_wait3A_262 = arith.constant 0 : i32
        %dma_wait3A_263 = arith.constant 64 : i32
        %dma_wait3A_264 = tpu.memref_slice %arg4[%dma_wait3A_253, %dma_wait3A_262, %dma_wait3A_263] : memref<50x16384x128xf32, #tpu.memory_space<hbm>> -> memref<1x128x64xf32, #tpu.memory_space<hbm>>
        %dma_wait3A_265 = tpu.memref_squeeze %dma_wait3A_264 : memref<1x128x64xf32, #tpu.memory_space<hbm>> -> memref<128x64xf32, #tpu.memory_space<hbm>>
        %dma_wait3A_266 = arith.constant 0 : i32
        %dma_wait3A_267 = arith.constant 0 : i32
        %dma_wait3A_268 = tpu.memref_slice %arg7[%dma_wait3A_252, %dma_wait3A_266, %dma_wait3A_267] : memref<4x128x64xf32, #tpu.memory_space<vmem>> -> memref<1x128x64xf32, #tpu.memory_space<vmem>>
        %dma_wait3A_269 = tpu.memref_squeeze %dma_wait3A_268 : memref<1x128x64xf32, #tpu.memory_space<vmem>> -> memref<128x64xf32, #tpu.memory_space<vmem>>
        tpu.wait_dma2 semaphore(%arg13 : memref<!tpu.dma_semaphore, #tpu.memory_space<semaphore_mem>>) src(%dma_wait3A_269 : memref<128x64xf32, #tpu.memory_space<vmem>>) dst(%dma_wait3A_265 : memref<128x64xf32, #tpu.memory_space<hbm>>)
        %add3A_270 = arith.constant 1 : i32
        %add3A_271 = arith.addi %scan3A_118, %add3A_270 : i32
        %mul3A_272 = arith.constant 512 : i32
        %mul3A_273 = arith.muli %add3A_271, %mul3A_272 : i32
        %add3A_274 = arith.constant 128 : i32
        %add3A_275 = arith.addi %mul3A_273, %add3A_274 : i32
        %dma_start3A_276 = arith.constant 1 : i32
        %dma_start3A_277 = arith.constant 0 : i32
        %dma_start3A_278 = arith.constant 0 : i32
        %dma_start3A_279 = tpu.memref_slice %arg7[%dma_start3A_276, %dma_start3A_277, %dma_start3A_278] : memref<4x128x64xf32, #tpu.memory_space<vmem>> -> memref<1x128x64xf32, #tpu.memory_space<vmem>>
        %dma_start3A_280 = tpu.memref_squeeze %dma_start3A_279 : memref<1x128x64xf32, #tpu.memory_space<vmem>> -> memref<128x64xf32, #tpu.memory_space<vmem>>
        %dma_start3A_281 = tpu.memref_slice %arg6[%add3A_275] : memref<25600xi32, #tpu.memory_space<vmem>> -> memref<128xi32, #tpu.memory_space<vmem>>
        %dma_start3A_282 = arith.constant 0 : i32
        %dma_start3A_283 = arith.constant 0 : i32
        %dma_start3A_284 = tpu.memref_slice %arg2[%dma_start3A_282, %dma_start3A_283] : memref<100000x64xf32, #tpu.memory_space<hbm>> -> memref<100000x64xf32, #tpu.memory_space<hbm>>
        tpu.enqueue_indirect_dma source(%dma_start3A_284 : memref<100000x64xf32, #tpu.memory_space<hbm>>) target(%dma_start3A_280 : memref<128x64xf32, #tpu.memory_space<vmem>>) offsets(%dma_start3A_281 : memref<128xi32, #tpu.memory_space<vmem>>) semaphore(%arg9 : memref<!tpu.dma_semaphore, #tpu.memory_space<semaphore_mem>>)
      } else {
      }
      %dma_wait3A_184 = arith.constant 2 : i32
      %dma_wait3A_185 = arith.constant 0 : i32
      %dma_wait3A_186 = arith.constant 0 : i32
      %dma_wait3A_187 = tpu.memref_slice %arg7[%dma_wait3A_184, %dma_wait3A_185, %dma_wait3A_186] : memref<4x128x64xf32, #tpu.memory_space<vmem>> -> memref<1x128x64xf32, #tpu.memory_space<vmem>>
      %dma_wait3A_188 = tpu.memref_squeeze %dma_wait3A_187 : memref<1x128x64xf32, #tpu.memory_space<vmem>> -> memref<128x64xf32, #tpu.memory_space<vmem>>
      %dma_wait3A_189 = arith.constant 0 : i32
      %dma_wait3A_190 = tpu.memref_slice %arg6[%dma_wait3A_189] : memref<25600xi32, #tpu.memory_space<vmem>> -> memref<128xi32, #tpu.memory_space<vmem>>
      %dma_wait3A_191 = arith.constant 0 : i32
      %dma_wait3A_192 = arith.constant 0 : i32
      %dma_wait3A_193 = tpu.memref_slice %arg2[%dma_wait3A_191, %dma_wait3A_192] : memref<100000x64xf32, #tpu.memory_space<hbm>> -> memref<100000x64xf32, #tpu.memory_space<hbm>>
      tpu.wait_indirect_dma semaphore(%arg10 : memref<!tpu.dma_semaphore, #tpu.memory_space<semaphore_mem>>) src(%dma_wait3A_193 : memref<100000x64xf32, #tpu.memory_space<hbm>>) dst(%dma_wait3A_188 : memref<128x64xf32, #tpu.memory_space<vmem>>)
      %add3A_194 = arith.constant 256 : i32
      %add3A_195 = arith.addi %mul3A_2, %add3A_194 : i32
      %dma_start3A_196 = arith.constant 2 : i32
      %dma_start3A_197 = arith.constant 0 : i32
      %dma_start3A_198 = arith.constant 0 : i32
      %dma_start3A_199 = tpu.memref_slice %arg7[%dma_start3A_196, %dma_start3A_197, %dma_start3A_198] : memref<4x128x64xf32, #tpu.memory_space<vmem>> -> memref<1x128x64xf32, #tpu.memory_space<vmem>>
      %dma_start3A_200 = tpu.memref_squeeze %dma_start3A_199 : memref<1x128x64xf32, #tpu.memory_space<vmem>> -> memref<128x64xf32, #tpu.memory_space<vmem>>
      %dma_start3A_201 = arith.constant 64 : i32
      %dma_start3A_202 = tpu.memref_slice %arg4[%scan3A_118, %add3A_195, %dma_start3A_201] : memref<50x16384x128xf32, #tpu.memory_space<hbm>> -> memref<1x128x64xf32, #tpu.memory_space<hbm>>
      %dma_start3A_203 = tpu.memref_squeeze %dma_start3A_202 : memref<1x128x64xf32, #tpu.memory_space<hbm>> -> memref<128x64xf32, #tpu.memory_space<hbm>>
      %dma_start3A_204 = arith.constant 64 : i32
      %dma_start3A_205 = tpu.memref_slice %arg4[%scan3A_118, %add3A_195, %dma_start3A_204] : memref<50x16384x128xf32, #tpu.memory_space<hbm>> -> memref<1x128x64xf32, #tpu.memory_space<hbm>>
      %dma_start3A_206 = tpu.memref_squeeze %dma_start3A_205 : memref<1x128x64xf32, #tpu.memory_space<hbm>> -> memref<128x64xf32, #tpu.memory_space<hbm>>
      %dma_start3A_207 = arith.constant 0 : i32
      %dma_start3A_208 = arith.constant 0 : i32
      %dma_start3A_209 = tpu.memref_slice %arg7[%dma_start3A_196, %dma_start3A_207, %dma_start3A_208] : memref<4x128x64xf32, #tpu.memory_space<vmem>> -> memref<1x128x64xf32, #tpu.memory_space<vmem>>
      %dma_start3A_210 = tpu.memref_squeeze %dma_start3A_209 : memref<1x128x64xf32, #tpu.memory_space<vmem>> -> memref<128x64xf32, #tpu.memory_space<vmem>>
      tpu.enqueue_dma source(%dma_start3A_210 : memref<128x64xf32, #tpu.memory_space<vmem>>) target(%dma_start3A_206 : memref<128x64xf32, #tpu.memory_space<hbm>>) target_semaphore(%arg14 : memref<!tpu.dma_semaphore, #tpu.memory_space<semaphore_mem>>)
      %add3A_211 = arith.constant 1 : i32
      %add3A_212 = arith.addi %scan3A_118, %add3A_211 : i32
      %lt3A_213 = arith.constant 50 : i32
      %lt3A_214 = arith.cmpi slt, %add3A_212, %lt3A_213 : i32
      %convert_element_type3A_215 = arith.extui %lt3A_214 : i1 to i32
      %cond3A_216 = arith.constant 0 : i32
      %cond3A_217 = arith.cmpi ne, %convert_element_type3A_215, %cond3A_216 : i32
      scf.if %cond3A_217 {
        %dma_wait3A_252 = arith.constant 2 : i32
        %dma_wait3A_253 = arith.constant 0 : i32
        %dma_wait3A_254 = arith.constant 0 : i32
        %dma_wait3A_255 = arith.constant 0 : i32
        %dma_wait3A_256 = tpu.memref_slice %arg7[%dma_wait3A_252, %dma_wait3A_254, %dma_wait3A_255] : memref<4x128x64xf32, #tpu.memory_space<vmem>> -> memref<1x128x64xf32, #tpu.memory_space<vmem>>
        %dma_wait3A_257 = tpu.memref_squeeze %dma_wait3A_256 : memref<1x128x64xf32, #tpu.memory_space<vmem>> -> memref<128x64xf32, #tpu.memory_space<vmem>>
        %dma_wait3A_258 = arith.constant 0 : i32
        %dma_wait3A_259 = arith.constant 64 : i32
        %dma_wait3A_260 = tpu.memref_slice %arg4[%dma_wait3A_253, %dma_wait3A_258, %dma_wait3A_259] : memref<50x16384x128xf32, #tpu.memory_space<hbm>> -> memref<1x128x64xf32, #tpu.memory_space<hbm>>
        %dma_wait3A_261 = tpu.memref_squeeze %dma_wait3A_260 : memref<1x128x64xf32, #tpu.memory_space<hbm>> -> memref<128x64xf32, #tpu.memory_space<hbm>>
        %dma_wait3A_262 = arith.constant 0 : i32
        %dma_wait3A_263 = arith.constant 64 : i32
        %dma_wait3A_264 = tpu.memref_slice %arg4[%dma_wait3A_253, %dma_wait3A_262, %dma_wait3A_263] : memref<50x16384x128xf32, #tpu.memory_space<hbm>> -> memref<1x128x64xf32, #tpu.memory_space<hbm>>
        %dma_wait3A_265 = tpu.memref_squeeze %dma_wait3A_264 : memref<1x128x64xf32, #tpu.memory_space<hbm>> -> memref<128x64xf32, #tpu.memory_space<hbm>>
        %dma_wait3A_266 = arith.constant 0 : i32
        %dma_wait3A_267 = arith.constant 0 : i32
        %dma_wait3A_268 = tpu.memref_slice %arg7[%dma_wait3A_252, %dma_wait3A_266, %dma_wait3A_267] : memref<4x128x64xf32, #tpu.memory_space<vmem>> -> memref<1x128x64xf32, #tpu.memory_space<vmem>>
        %dma_wait3A_269 = tpu.memref_squeeze %dma_wait3A_268 : memref<1x128x64xf32, #tpu.memory_space<vmem>> -> memref<128x64xf32, #tpu.memory_space<vmem>>
        tpu.wait_dma2 semaphore(%arg14 : memref<!tpu.dma_semaphore, #tpu.memory_space<semaphore_mem>>) src(%dma_wait3A_269 : memref<128x64xf32, #tpu.memory_space<vmem>>) dst(%dma_wait3A_265 : memref<128x64xf32, #tpu.memory_space<hbm>>)
        %add3A_270 = arith.constant 1 : i32
        %add3A_271 = arith.addi %scan3A_118, %add3A_270 : i32
        %mul3A_272 = arith.constant 512 : i32
        %mul3A_273 = arith.muli %add3A_271, %mul3A_272 : i32
        %add3A_274 = arith.constant 256 : i32
        %add3A_275 = arith.addi %mul3A_273, %add3A_274 : i32
        %dma_start3A_276 = arith.constant 2 : i32
        %dma_start3A_277 = arith.constant 0 : i32
        %dma_start3A_278 = arith.constant 0 : i32
        %dma_start3A_279 = tpu.memref_slice %arg7[%dma_start3A_276, %dma_start3A_277, %dma_start3A_278] : memref<4x128x64xf32, #tpu.memory_space<vmem>> -> memref<1x128x64xf32, #tpu.memory_space<vmem>>
        %dma_start3A_280 = tpu.memref_squeeze %dma_start3A_279 : memref<1x128x64xf32, #tpu.memory_space<vmem>> -> memref<128x64xf32, #tpu.memory_space<vmem>>
        %dma_start3A_281 = tpu.memref_slice %arg6[%add3A_275] : memref<25600xi32, #tpu.memory_space<vmem>> -> memref<128xi32, #tpu.memory_space<vmem>>
        %dma_start3A_282 = arith.constant 0 : i32
        %dma_start3A_283 = arith.constant 0 : i32
        %dma_start3A_284 = tpu.memref_slice %arg2[%dma_start3A_282, %dma_start3A_283] : memref<100000x64xf32, #tpu.memory_space<hbm>> -> memref<100000x64xf32, #tpu.memory_space<hbm>>
        tpu.enqueue_indirect_dma source(%dma_start3A_284 : memref<100000x64xf32, #tpu.memory_space<hbm>>) target(%dma_start3A_280 : memref<128x64xf32, #tpu.memory_space<vmem>>) offsets(%dma_start3A_281 : memref<128xi32, #tpu.memory_space<vmem>>) semaphore(%arg10 : memref<!tpu.dma_semaphore, #tpu.memory_space<semaphore_mem>>)
      } else {
      }
      %dma_wait3A_218 = arith.constant 3 : i32
      %dma_wait3A_219 = arith.constant 0 : i32
      %dma_wait3A_220 = arith.constant 0 : i32
      %dma_wait3A_221 = tpu.memref_slice %arg7[%dma_wait3A_218, %dma_wait3A_219, %dma_wait3A_220] : memref<4x128x64xf32, #tpu.memory_space<vmem>> -> memref<1x128x64xf32, #tpu.memory_space<vmem>>
      %dma_wait3A_222 = tpu.memref_squeeze %dma_wait3A_221 : memref<1x128x64xf32, #tpu.memory_space<vmem>> -> memref<128x64xf32, #tpu.memory_space<vmem>>
      %dma_wait3A_223 = arith.constant 0 : i32
      %dma_wait3A_224 = tpu.memref_slice %arg6[%dma_wait3A_223] : memref<25600xi32, #tpu.memory_space<vmem>> -> memref<128xi32, #tpu.memory_space<vmem>>
      %dma_wait3A_225 = arith.constant 0 : i32
      %dma_wait3A_226 = arith.constant 0 : i32
      %dma_wait3A_227 = tpu.memref_slice %arg2[%dma_wait3A_225, %dma_wait3A_226] : memref<100000x64xf32, #tpu.memory_space<hbm>> -> memref<100000x64xf32, #tpu.memory_space<hbm>>
      tpu.wait_indirect_dma semaphore(%arg11 : memref<!tpu.dma_semaphore, #tpu.memory_space<semaphore_mem>>) src(%dma_wait3A_227 : memref<100000x64xf32, #tpu.memory_space<hbm>>) dst(%dma_wait3A_222 : memref<128x64xf32, #tpu.memory_space<vmem>>)
      %add3A_228 = arith.constant 384 : i32
      %add3A_229 = arith.addi %mul3A_2, %add3A_228 : i32
      %dma_start3A_230 = arith.constant 3 : i32
      %dma_start3A_231 = arith.constant 0 : i32
      %dma_start3A_232 = arith.constant 0 : i32
      %dma_start3A_233 = tpu.memref_slice %arg7[%dma_start3A_230, %dma_start3A_231, %dma_start3A_232] : memref<4x128x64xf32, #tpu.memory_space<vmem>> -> memref<1x128x64xf32, #tpu.memory_space<vmem>>
      %dma_start3A_234 = tpu.memref_squeeze %dma_start3A_233 : memref<1x128x64xf32, #tpu.memory_space<vmem>> -> memref<128x64xf32, #tpu.memory_space<vmem>>
      %dma_start3A_235 = arith.constant 64 : i32
      %dma_start3A_236 = tpu.memref_slice %arg4[%scan3A_118, %add3A_229, %dma_start3A_235] : memref<50x16384x128xf32, #tpu.memory_space<hbm>> -> memref<1x128x64xf32, #tpu.memory_space<hbm>>
      %dma_start3A_237 = tpu.memref_squeeze %dma_start3A_236 : memref<1x128x64xf32, #tpu.memory_space<hbm>> -> memref<128x64xf32, #tpu.memory_space<hbm>>
      %dma_start3A_238 = arith.constant 64 : i32
      %dma_start3A_239 = tpu.memref_slice %arg4[%scan3A_118, %add3A_229, %dma_start3A_238] : memref<50x16384x128xf32, #tpu.memory_space<hbm>> -> memref<1x128x64xf32, #tpu.memory_space<hbm>>
      %dma_start3A_240 = tpu.memref_squeeze %dma_start3A_239 : memref<1x128x64xf32, #tpu.memory_space<hbm>> -> memref<128x64xf32, #tpu.memory_space<hbm>>
      %dma_start3A_241 = arith.constant 0 : i32
      %dma_start3A_242 = arith.constant 0 : i32
      %dma_start3A_243 = tpu.memref_slice %arg7[%dma_start3A_230, %dma_start3A_241, %dma_start3A_242] : memref<4x128x64xf32, #tpu.memory_space<vmem>> -> memref<1x128x64xf32, #tpu.memory_space<vmem>>
      %dma_start3A_244 = tpu.memref_squeeze %dma_start3A_243 : memref<1x128x64xf32, #tpu.memory_space<vmem>> -> memref<128x64xf32, #tpu.memory_space<vmem>>
      tpu.enqueue_dma source(%dma_start3A_244 : memref<128x64xf32, #tpu.memory_space<vmem>>) target(%dma_start3A_240 : memref<128x64xf32, #tpu.memory_space<hbm>>) target_semaphore(%arg15 : memref<!tpu.dma_semaphore, #tpu.memory_space<semaphore_mem>>)
      %add3A_245 = arith.constant 1 : i32
      %add3A_246 = arith.addi %scan3A_118, %add3A_245 : i32
      %lt3A_247 = arith.constant 50 : i32
      %lt3A_248 = arith.cmpi slt, %add3A_246, %lt3A_247 : i32
      %convert_element_type3A_249 = arith.extui %lt3A_248 : i1 to i32
      %cond3A_250 = arith.constant 0 : i32
      %cond3A_251 = arith.cmpi ne, %convert_element_type3A_249, %cond3A_250 : i32
      scf.if %cond3A_251 {
        %dma_wait3A_252 = arith.constant 3 : i32
        %dma_wait3A_253 = arith.constant 0 : i32
        %dma_wait3A_254 = arith.constant 0 : i32
        %dma_wait3A_255 = arith.constant 0 : i32
        %dma_wait3A_256 = tpu.memref_slice %arg7[%dma_wait3A_252, %dma_wait3A_254, %dma_wait3A_255] : memref<4x128x64xf32, #tpu.memory_space<vmem>> -> memref<1x128x64xf32, #tpu.memory_space<vmem>>
        %dma_wait3A_257 = tpu.memref_squeeze %dma_wait3A_256 : memref<1x128x64xf32, #tpu.memory_space<vmem>> -> memref<128x64xf32, #tpu.memory_space<vmem>>
        %dma_wait3A_258 = arith.constant 0 : i32
        %dma_wait3A_259 = arith.constant 64 : i32
        %dma_wait3A_260 = tpu.memref_slice %arg4[%dma_wait3A_253, %dma_wait3A_258, %dma_wait3A_259] : memref<50x16384x128xf32, #tpu.memory_space<hbm>> -> memref<1x128x64xf32, #tpu.memory_space<hbm>>
        %dma_wait3A_261 = tpu.memref_squeeze %dma_wait3A_260 : memref<1x128x64xf32, #tpu.memory_space<hbm>> -> memref<128x64xf32, #tpu.memory_space<hbm>>
        %dma_wait3A_262 = arith.constant 0 : i32
        %dma_wait3A_263 = arith.constant 64 : i32
        %dma_wait3A_264 = tpu.memref_slice %arg4[%dma_wait3A_253, %dma_wait3A_262, %dma_wait3A_263] : memref<50x16384x128xf32, #tpu.memory_space<hbm>> -> memref<1x128x64xf32, #tpu.memory_space<hbm>>
        %dma_wait3A_265 = tpu.memref_squeeze %dma_wait3A_264 : memref<1x128x64xf32, #tpu.memory_space<hbm>> -> memref<128x64xf32, #tpu.memory_space<hbm>>
        %dma_wait3A_266 = arith.constant 0 : i32
        %dma_wait3A_267 = arith.constant 0 : i32
        %dma_wait3A_268 = tpu.memref_slice %arg7[%dma_wait3A_252, %dma_wait3A_266, %dma_wait3A_267] : memref<4x128x64xf32, #tpu.memory_space<vmem>> -> memref<1x128x64xf32, #tpu.memory_space<vmem>>
        %dma_wait3A_269 = tpu.memref_squeeze %dma_wait3A_268 : memref<1x128x64xf32, #tpu.memory_space<vmem>> -> memref<128x64xf32, #tpu.memory_space<vmem>>
        tpu.wait_dma2 semaphore(%arg15 : memref<!tpu.dma_semaphore, #tpu.memory_space<semaphore_mem>>) src(%dma_wait3A_269 : memref<128x64xf32, #tpu.memory_space<vmem>>) dst(%dma_wait3A_265 : memref<128x64xf32, #tpu.memory_space<hbm>>)
        %add3A_270 = arith.constant 1 : i32
        %add3A_271 = arith.addi %scan3A_118, %add3A_270 : i32
        %mul3A_272 = arith.constant 512 : i32
        %mul3A_273 = arith.muli %add3A_271, %mul3A_272 : i32
        %add3A_274 = arith.constant 384 : i32
        %add3A_275 = arith.addi %mul3A_273, %add3A_274 : i32
        %dma_start3A_276 = arith.constant 3 : i32
        %dma_start3A_277 = arith.constant 0 : i32
        %dma_start3A_278 = arith.constant 0 : i32
        %dma_start3A_279 = tpu.memref_slice %arg7[%dma_start3A_276, %dma_start3A_277, %dma_start3A_278] : memref<4x128x64xf32, #tpu.memory_space<vmem>> -> memref<1x128x64xf32, #tpu.memory_space<vmem>>
        %dma_start3A_280 = tpu.memref_squeeze %dma_start3A_279 : memref<1x128x64xf32, #tpu.memory_space<vmem>> -> memref<128x64xf32, #tpu.memory_space<vmem>>
        %dma_start3A_281 = tpu.memref_slice %arg6[%add3A_275] : memref<25600xi32, #tpu.memory_space<vmem>> -> memref<128xi32, #tpu.memory_space<vmem>>
        %dma_start3A_282 = arith.constant 0 : i32
        %dma_start3A_283 = arith.constant 0 : i32
        %dma_start3A_284 = tpu.memref_slice %arg2[%dma_start3A_282, %dma_start3A_283] : memref<100000x64xf32, #tpu.memory_space<hbm>> -> memref<100000x64xf32, #tpu.memory_space<hbm>>
        tpu.enqueue_indirect_dma source(%dma_start3A_284 : memref<100000x64xf32, #tpu.memory_space<hbm>>) target(%dma_start3A_280 : memref<128x64xf32, #tpu.memory_space<vmem>>) offsets(%dma_start3A_281 : memref<128xi32, #tpu.memory_space<vmem>>) semaphore(%arg11 : memref<!tpu.dma_semaphore, #tpu.memory_space<semaphore_mem>>)
      } else {
      }
    }
    %scan3A_46 = arith.constant 50 : i32
    %dma_wait3A = arith.constant 0 : i32
    %dma_wait3A_47 = arith.constant 0 : i32
    %dma_wait3A_48 = arith.constant 0 : i32
    %dma_wait3A_49 = arith.constant 0 : i32
    %dma_wait3A_50 = tpu.memref_slice %arg7[%dma_wait3A, %dma_wait3A_48, %dma_wait3A_49] : memref<4x128x64xf32, #tpu.memory_space<vmem>> -> memref<1x128x64xf32, #tpu.memory_space<vmem>>
    %dma_wait3A_51 = tpu.memref_squeeze %dma_wait3A_50 : memref<1x128x64xf32, #tpu.memory_space<vmem>> -> memref<128x64xf32, #tpu.memory_space<vmem>>
    %dma_wait3A_52 = arith.constant 0 : i32
    %dma_wait3A_53 = arith.constant 64 : i32
    %dma_wait3A_54 = tpu.memref_slice %arg4[%dma_wait3A_47, %dma_wait3A_52, %dma_wait3A_53] : memref<50x16384x128xf32, #tpu.memory_space<hbm>> -> memref<1x128x64xf32, #tpu.memory_space<hbm>>
    %dma_wait3A_55 = tpu.memref_squeeze %dma_wait3A_54 : memref<1x128x64xf32, #tpu.memory_space<hbm>> -> memref<128x64xf32, #tpu.memory_space<hbm>>
    %dma_wait3A_56 = arith.constant 0 : i32
    %dma_wait3A_57 = arith.constant 64 : i32
    %dma_wait3A_58 = tpu.memref_slice %arg4[%dma_wait3A_47, %dma_wait3A_56, %dma_wait3A_57] : memref<50x16384x128xf32, #tpu.memory_space<hbm>> -> memref<1x128x64xf32, #tpu.memory_space<hbm>>
    %dma_wait3A_59 = tpu.memref_squeeze %dma_wait3A_58 : memref<1x128x64xf32, #tpu.memory_space<hbm>> -> memref<128x64xf32, #tpu.memory_space<hbm>>
    %dma_wait3A_60 = arith.constant 0 : i32
    %dma_wait3A_61 = arith.constant 0 : i32
    %dma_wait3A_62 = tpu.memref_slice %arg7[%dma_wait3A, %dma_wait3A_60, %dma_wait3A_61] : memref<4x128x64xf32, #tpu.memory_space<vmem>> -> memref<1x128x64xf32, #tpu.memory_space<vmem>>
    %dma_wait3A_63 = tpu.memref_squeeze %dma_wait3A_62 : memref<1x128x64xf32, #tpu.memory_space<vmem>> -> memref<128x64xf32, #tpu.memory_space<vmem>>
    tpu.wait_dma2 semaphore(%arg12 : memref<!tpu.dma_semaphore, #tpu.memory_space<semaphore_mem>>) src(%dma_wait3A_63 : memref<128x64xf32, #tpu.memory_space<vmem>>) dst(%dma_wait3A_59 : memref<128x64xf32, #tpu.memory_space<hbm>>)
    %dma_wait3A_64 = arith.constant 1 : i32
    %dma_wait3A_65 = arith.constant 0 : i32
    %dma_wait3A_66 = arith.constant 0 : i32
    %dma_wait3A_67 = arith.constant 0 : i32
    %dma_wait3A_68 = tpu.memref_slice %arg7[%dma_wait3A_64, %dma_wait3A_66, %dma_wait3A_67] : memref<4x128x64xf32, #tpu.memory_space<vmem>> -> memref<1x128x64xf32, #tpu.memory_space<vmem>>
    %dma_wait3A_69 = tpu.memref_squeeze %dma_wait3A_68 : memref<1x128x64xf32, #tpu.memory_space<vmem>> -> memref<128x64xf32, #tpu.memory_space<vmem>>
    %dma_wait3A_70 = arith.constant 0 : i32
    %dma_wait3A_71 = arith.constant 64 : i32
    %dma_wait3A_72 = tpu.memref_slice %arg4[%dma_wait3A_65, %dma_wait3A_70, %dma_wait3A_71] : memref<50x16384x128xf32, #tpu.memory_space<hbm>> -> memref<1x128x64xf32, #tpu.memory_space<hbm>>
    %dma_wait3A_73 = tpu.memref_squeeze %dma_wait3A_72 : memref<1x128x64xf32, #tpu.memory_space<hbm>> -> memref<128x64xf32, #tpu.memory_space<hbm>>
    %dma_wait3A_74 = arith.constant 0 : i32
    %dma_wait3A_75 = arith.constant 64 : i32
    %dma_wait3A_76 = tpu.memref_slice %arg4[%dma_wait3A_65, %dma_wait3A_74, %dma_wait3A_75] : memref<50x16384x128xf32, #tpu.memory_space<hbm>> -> memref<1x128x64xf32, #tpu.memory_space<hbm>>
    %dma_wait3A_77 = tpu.memref_squeeze %dma_wait3A_76 : memref<1x128x64xf32, #tpu.memory_space<hbm>> -> memref<128x64xf32, #tpu.memory_space<hbm>>
    %dma_wait3A_78 = arith.constant 0 : i32
    %dma_wait3A_79 = arith.constant 0 : i32
    %dma_wait3A_80 = tpu.memref_slice %arg7[%dma_wait3A_64, %dma_wait3A_78, %dma_wait3A_79] : memref<4x128x64xf32, #tpu.memory_space<vmem>> -> memref<1x128x64xf32, #tpu.memory_space<vmem>>
    %dma_wait3A_81 = tpu.memref_squeeze %dma_wait3A_80 : memref<1x128x64xf32, #tpu.memory_space<vmem>> -> memref<128x64xf32, #tpu.memory_space<vmem>>
    tpu.wait_dma2 semaphore(%arg13 : memref<!tpu.dma_semaphore, #tpu.memory_space<semaphore_mem>>) src(%dma_wait3A_81 : memref<128x64xf32, #tpu.memory_space<vmem>>) dst(%dma_wait3A_77 : memref<128x64xf32, #tpu.memory_space<hbm>>)
    %dma_wait3A_82 = arith.constant 2 : i32
    %dma_wait3A_83 = arith.constant 0 : i32
    %dma_wait3A_84 = arith.constant 0 : i32
    %dma_wait3A_85 = arith.constant 0 : i32
    %dma_wait3A_86 = tpu.memref_slice %arg7[%dma_wait3A_82, %dma_wait3A_84, %dma_wait3A_85] : memref<4x128x64xf32, #tpu.memory_space<vmem>> -> memref<1x128x64xf32, #tpu.memory_space<vmem>>
    %dma_wait3A_87 = tpu.memref_squeeze %dma_wait3A_86 : memref<1x128x64xf32, #tpu.memory_space<vmem>> -> memref<128x64xf32, #tpu.memory_space<vmem>>
    %dma_wait3A_88 = arith.constant 0 : i32
    %dma_wait3A_89 = arith.constant 64 : i32
    %dma_wait3A_90 = tpu.memref_slice %arg4[%dma_wait3A_83, %dma_wait3A_88, %dma_wait3A_89] : memref<50x16384x128xf32, #tpu.memory_space<hbm>> -> memref<1x128x64xf32, #tpu.memory_space<hbm>>
    %dma_wait3A_91 = tpu.memref_squeeze %dma_wait3A_90 : memref<1x128x64xf32, #tpu.memory_space<hbm>> -> memref<128x64xf32, #tpu.memory_space<hbm>>
    %dma_wait3A_92 = arith.constant 0 : i32
    %dma_wait3A_93 = arith.constant 64 : i32
    %dma_wait3A_94 = tpu.memref_slice %arg4[%dma_wait3A_83, %dma_wait3A_92, %dma_wait3A_93] : memref<50x16384x128xf32, #tpu.memory_space<hbm>> -> memref<1x128x64xf32, #tpu.memory_space<hbm>>
    %dma_wait3A_95 = tpu.memref_squeeze %dma_wait3A_94 : memref<1x128x64xf32, #tpu.memory_space<hbm>> -> memref<128x64xf32, #tpu.memory_space<hbm>>
    %dma_wait3A_96 = arith.constant 0 : i32
    %dma_wait3A_97 = arith.constant 0 : i32
    %dma_wait3A_98 = tpu.memref_slice %arg7[%dma_wait3A_82, %dma_wait3A_96, %dma_wait3A_97] : memref<4x128x64xf32, #tpu.memory_space<vmem>> -> memref<1x128x64xf32, #tpu.memory_space<vmem>>
    %dma_wait3A_99 = tpu.memref_squeeze %dma_wait3A_98 : memref<1x128x64xf32, #tpu.memory_space<vmem>> -> memref<128x64xf32, #tpu.memory_space<vmem>>
    tpu.wait_dma2 semaphore(%arg14 : memref<!tpu.dma_semaphore, #tpu.memory_space<semaphore_mem>>) src(%dma_wait3A_99 : memref<128x64xf32, #tpu.memory_space<vmem>>) dst(%dma_wait3A_95 : memref<128x64xf32, #tpu.memory_space<hbm>>)
    %dma_wait3A_100 = arith.constant 3 : i32
    %dma_wait3A_101 = arith.constant 0 : i32
    %dma_wait3A_102 = arith.constant 0 : i32
    %dma_wait3A_103 = arith.constant 0 : i32
    %dma_wait3A_104 = tpu.memref_slice %arg7[%dma_wait3A_100, %dma_wait3A_102, %dma_wait3A_103] : memref<4x128x64xf32, #tpu.memory_space<vmem>> -> memref<1x128x64xf32, #tpu.memory_space<vmem>>
    %dma_wait3A_105 = tpu.memref_squeeze %dma_wait3A_104 : memref<1x128x64xf32, #tpu.memory_space<vmem>> -> memref<128x64xf32, #tpu.memory_space<vmem>>
    %dma_wait3A_106 = arith.constant 0 : i32
    %dma_wait3A_107 = arith.constant 64 : i32
    %dma_wait3A_108 = tpu.memref_slice %arg4[%dma_wait3A_101, %dma_wait3A_106, %dma_wait3A_107] : memref<50x16384x128xf32, #tpu.memory_space<hbm>> -> memref<1x128x64xf32, #tpu.memory_space<hbm>>
    %dma_wait3A_109 = tpu.memref_squeeze %dma_wait3A_108 : memref<1x128x64xf32, #tpu.memory_space<hbm>> -> memref<128x64xf32, #tpu.memory_space<hbm>>
    %dma_wait3A_110 = arith.constant 0 : i32
    %dma_wait3A_111 = arith.constant 64 : i32
    %dma_wait3A_112 = tpu.memref_slice %arg4[%dma_wait3A_101, %dma_wait3A_110, %dma_wait3A_111] : memref<50x16384x128xf32, #tpu.memory_space<hbm>> -> memref<1x128x64xf32, #tpu.memory_space<hbm>>
    %dma_wait3A_113 = tpu.memref_squeeze %dma_wait3A_112 : memref<1x128x64xf32, #tpu.memory_space<hbm>> -> memref<128x64xf32, #tpu.memory_space<hbm>>
    %dma_wait3A_114 = arith.constant 0 : i32
    %dma_wait3A_115 = arith.constant 0 : i32
    %dma_wait3A_116 = tpu.memref_slice %arg7[%dma_wait3A_100, %dma_wait3A_114, %dma_wait3A_115] : memref<4x128x64xf32, #tpu.memory_space<vmem>> -> memref<1x128x64xf32, #tpu.memory_space<vmem>>
    %dma_wait3A_117 = tpu.memref_squeeze %dma_wait3A_116 : memref<1x128x64xf32, #tpu.memory_space<vmem>> -> memref<128x64xf32, #tpu.memory_space<vmem>>
    tpu.wait_dma2 semaphore(%arg15 : memref<!tpu.dma_semaphore, #tpu.memory_space<semaphore_mem>>) src(%dma_wait3A_117 : memref<128x64xf32, #tpu.memory_space<vmem>>) dst(%dma_wait3A_113 : memref<128x64xf32, #tpu.memory_space<hbm>>)
    return
  }
}

module attributes {stable_mosaic.version = 14 : i64} {
  func.func @body(%arg0: i32, %arg1: memref<2000x128xf32, #tpu.memory_space<vmem>>, %arg2: memref<2000x128xf32, #tpu.memory_space<vmem>>, %arg3: memref<2000x128xf32, #tpu.memory_space<vmem>>) attributes {dimension_semantics = [#tpu.dimension_semantics<arbitrary>], iteration_bounds = array<i64: 25>, scalar_prefetch = 0 : i64, scratch_operands = 0 : i64, tpu.core_type = #tpu.core_type<tc>, window_params = [{transform_indices = @transform_0, window_bounds = array<i64: 2000, 128>}, {transform_indices = @transform_1, window_bounds = array<i64: 2000, 128>}, {transform_indices = @transform_2, window_bounds = array<i64: 2000, 128>}]} {
    %iota3A = tpu.iota {dimensions = array<i32: 0>} : vector<2000x128xi32>
    %iota3A_0 = tpu.iota {dimensions = array<i32: 1>} : vector<2000x128xi32>
    %jit3A = arith.constant 64 : i32
    %div3A = vector.broadcast %jit3A : i32 to vector<2000x128xi32>
    %div3A_1 = arith.divsi %iota3A_0, %div3A : vector<2000x128xi32>
    %sign3A = arith.constant 0 : i32
    %sign3A_2 = vector.broadcast %sign3A : i32 to vector<2000x128xi32>
    %sign3A_3 = arith.cmpi sgt, %iota3A_0, %sign3A_2 : vector<2000x128xi32>
    %sign3A_4 = arith.extui %sign3A_3 : vector<2000x128xi1> to vector<2000x128xi32>
    %sign3A_5 = arith.constant 0 : i32
    %sign3A_6 = vector.broadcast %sign3A_5 : i32 to vector<2000x128xi32>
    %sign3A_7 = arith.cmpi slt, %iota3A_0, %sign3A_6 : vector<2000x128xi32>
    %sign3A_8 = arith.extui %sign3A_7 : vector<2000x128xi1> to vector<2000x128xi32>
    %sign3A_9 = arith.subi %sign3A_4, %sign3A_8 : vector<2000x128xi32>
    %sign3A_10 = arith.constant 0 : i32
    %sign3A_11 = arith.cmpi sgt, %jit3A, %sign3A_10 : i32
    %sign3A_12 = arith.extui %sign3A_11 : i1 to i32
    %sign3A_13 = arith.constant 0 : i32
    %sign3A_14 = arith.cmpi slt, %jit3A, %sign3A_13 : i32
    %sign3A_15 = arith.extui %sign3A_14 : i1 to i32
    %sign3A_16 = arith.subi %sign3A_12, %sign3A_15 : i32
    %ne3A = vector.broadcast %sign3A_16 : i32 to vector<2000x128xi32>
    %ne3A_17 = arith.cmpi ne, %sign3A_9, %ne3A : vector<2000x128xi32>
    %rem3A = vector.broadcast %jit3A : i32 to vector<2000x128xi32>
    %rem3A_18 = arith.remsi %iota3A_0, %rem3A : vector<2000x128xi32>
    %ne3A_19 = arith.constant 0 : i32
    %ne3A_20 = vector.broadcast %ne3A_19 : i32 to vector<2000x128xi32>
    %ne3A_21 = arith.cmpi ne, %rem3A_18, %ne3A_20 : vector<2000x128xi32>
    %and3A = arith.andi %ne3A_17, %ne3A_21 : vector<2000x128xi1>
    %sub3A = arith.constant 1 : i32
    %sub3A_22 = vector.broadcast %sub3A : i32 to vector<2000x128xi32>
    %sub3A_23 = arith.subi %div3A_1, %sub3A_22 : vector<2000x128xi32>
    %select_n3A = arith.select %and3A, %sub3A_23, %div3A_1 : vector<2000x128xi1>, vector<2000x128xi32>
    %mul3A = arith.constant 2000 : i32
    %mul3A_24 = arith.muli %arg0, %mul3A : i32
    %add3A = vector.broadcast %mul3A_24 : i32 to vector<2000x128xi32>
    %add3A_25 = arith.addi %add3A, %iota3A : vector<2000x128xi32>
    %mul3A_26 = arith.constant 50000 : i32
    %mul3A_27 = vector.broadcast %mul3A_26 : i32 to vector<2000x128xi32>
    %mul3A_28 = arith.muli %select_n3A, %mul3A_27 : vector<2000x128xi32>
    %add3A_29 = arith.addi %add3A_25, %mul3A_28 : vector<2000x128xi32>
    %mul3A_30 = arith.constant 128 : i32
    %mul3A_31 = vector.broadcast %mul3A_30 : i32 to vector<2000x128xi32>
    %mul3A_32 = arith.muli %add3A_29, %mul3A_31 : vector<2000x128xi32>
    %add3A_33 = arith.constant 0 : i32
    %add3A_34 = vector.broadcast %add3A_33 : i32 to vector<2000x128xi32>
    %add3A_35 = arith.addi %mul3A_32, %add3A_34 : vector<2000x128xi32>
    %mul3A_36 = arith.constant 64 : i32
    %mul3A_37 = vector.broadcast %mul3A_36 : i32 to vector<2000x128xi32>
    %mul3A_38 = arith.muli %select_n3A, %mul3A_37 : vector<2000x128xi32>
    %sub3A_39 = arith.subi %iota3A_0, %mul3A_38 : vector<2000x128xi32>
    %add3A_40 = arith.addi %add3A_35, %sub3A_39 : vector<2000x128xi32>
    %add3A_41 = arith.constant 42 : i32
    %add3A_42 = vector.broadcast %add3A_41 : i32 to vector<2000x128xi32>
    %add3A_43 = arith.addi %add3A_40, %add3A_42 : vector<2000x128xi32>
    %broadcast_in_dim3A = arith.constant 0 : i32
    %broadcast_in_dim3A_44 = vector.broadcast %broadcast_in_dim3A : i32 to vector<2000x128xi32>
    %add3A_45 = arith.addi %broadcast_in_dim3A_44, %add3A_43 : vector<2000x128xi32>
    %shift_left3A = arith.constant 13 : i32
    %shift_left3A_46 = vector.broadcast %shift_left3A : i32 to vector<2000x128xi32>
    %shift_left3A_47 = arith.shli %add3A_43, %shift_left3A_46 : vector<2000x128xi32>
    %shift_right_logical3A = arith.constant 19 : i32
    %shift_right_logical3A_48 = vector.broadcast %shift_right_logical3A : i32 to vector<2000x128xi32>
    %shift_right_logical3A_49 = arith.shrui %add3A_43, %shift_right_logical3A_48 : vector<2000x128xi32>
    %or3A = arith.ori %shift_left3A_47, %shift_right_logical3A_49 : vector<2000x128xi32>
    %xor3A = arith.xori %or3A, %add3A_45 : vector<2000x128xi32>
    %add3A_50 = arith.addi %add3A_45, %xor3A : vector<2000x128xi32>
    %shift_left3A_51 = arith.constant 15 : i32
    %shift_left3A_52 = vector.broadcast %shift_left3A_51 : i32 to vector<2000x128xi32>
    %shift_left3A_53 = arith.shli %xor3A, %shift_left3A_52 : vector<2000x128xi32>
    %shift_right_logical3A_54 = arith.constant 17 : i32
    %shift_right_logical3A_55 = vector.broadcast %shift_right_logical3A_54 : i32 to vector<2000x128xi32>
    %shift_right_logical3A_56 = arith.shrui %xor3A, %shift_right_logical3A_55 : vector<2000x128xi32>
    %or3A_57 = arith.ori %shift_left3A_53, %shift_right_logical3A_56 : vector<2000x128xi32>
    %xor3A_58 = arith.xori %or3A_57, %add3A_50 : vector<2000x128xi32>
    %add3A_59 = arith.addi %add3A_50, %xor3A_58 : vector<2000x128xi32>
    %shift_left3A_60 = arith.constant 26 : i32
    %shift_left3A_61 = vector.broadcast %shift_left3A_60 : i32 to vector<2000x128xi32>
    %shift_left3A_62 = arith.shli %xor3A_58, %shift_left3A_61 : vector<2000x128xi32>
    %shift_right_logical3A_63 = arith.constant 6 : i32
    %shift_right_logical3A_64 = vector.broadcast %shift_right_logical3A_63 : i32 to vector<2000x128xi32>
    %shift_right_logical3A_65 = arith.shrui %xor3A_58, %shift_right_logical3A_64 : vector<2000x128xi32>
    %or3A_66 = arith.ori %shift_left3A_62, %shift_right_logical3A_65 : vector<2000x128xi32>
    %xor3A_67 = arith.xori %or3A_66, %add3A_59 : vector<2000x128xi32>
    %add3A_68 = arith.addi %add3A_59, %xor3A_67 : vector<2000x128xi32>
    %shift_left3A_69 = arith.constant 6 : i32
    %shift_left3A_70 = vector.broadcast %shift_left3A_69 : i32 to vector<2000x128xi32>
    %shift_left3A_71 = arith.shli %xor3A_67, %shift_left3A_70 : vector<2000x128xi32>
    %shift_right_logical3A_72 = arith.constant 26 : i32
    %shift_right_logical3A_73 = vector.broadcast %shift_right_logical3A_72 : i32 to vector<2000x128xi32>
    %shift_right_logical3A_74 = arith.shrui %xor3A_67, %shift_right_logical3A_73 : vector<2000x128xi32>
    %or3A_75 = arith.ori %shift_left3A_71, %shift_right_logical3A_74 : vector<2000x128xi32>
    %xor3A_76 = arith.xori %or3A_75, %add3A_68 : vector<2000x128xi32>
    %add3A_77 = arith.constant 42 : i32
    %add3A_78 = vector.broadcast %add3A_77 : i32 to vector<2000x128xi32>
    %add3A_79 = arith.addi %add3A_68, %add3A_78 : vector<2000x128xi32>
    %add3A_80 = arith.constant 466689009 : i32
    %add3A_81 = vector.broadcast %add3A_80 : i32 to vector<2000x128xi32>
    %add3A_82 = arith.addi %xor3A_76, %add3A_81 : vector<2000x128xi32>
    %add3A_83 = arith.addi %add3A_79, %add3A_82 : vector<2000x128xi32>
    %shift_left3A_84 = arith.constant 17 : i32
    %shift_left3A_85 = vector.broadcast %shift_left3A_84 : i32 to vector<2000x128xi32>
    %shift_left3A_86 = arith.shli %add3A_82, %shift_left3A_85 : vector<2000x128xi32>
    %shift_right_logical3A_87 = arith.constant 15 : i32
    %shift_right_logical3A_88 = vector.broadcast %shift_right_logical3A_87 : i32 to vector<2000x128xi32>
    %shift_right_logical3A_89 = arith.shrui %add3A_82, %shift_right_logical3A_88 : vector<2000x128xi32>
    %or3A_90 = arith.ori %shift_left3A_86, %shift_right_logical3A_89 : vector<2000x128xi32>
    %xor3A_91 = arith.xori %or3A_90, %add3A_83 : vector<2000x128xi32>
    %add3A_92 = arith.addi %add3A_83, %xor3A_91 : vector<2000x128xi32>
    %shift_left3A_93 = arith.constant 29 : i32
    %shift_left3A_94 = vector.broadcast %shift_left3A_93 : i32 to vector<2000x128xi32>
    %shift_left3A_95 = arith.shli %xor3A_91, %shift_left3A_94 : vector<2000x128xi32>
    %shift_right_logical3A_96 = arith.constant 3 : i32
    %shift_right_logical3A_97 = vector.broadcast %shift_right_logical3A_96 : i32 to vector<2000x128xi32>
    %shift_right_logical3A_98 = arith.shrui %xor3A_91, %shift_right_logical3A_97 : vector<2000x128xi32>
    %or3A_99 = arith.ori %shift_left3A_95, %shift_right_logical3A_98 : vector<2000x128xi32>
    %xor3A_100 = arith.xori %or3A_99, %add3A_92 : vector<2000x128xi32>
    %add3A_101 = arith.addi %add3A_92, %xor3A_100 : vector<2000x128xi32>
    %shift_left3A_102 = arith.constant 16 : i32
    %shift_left3A_103 = vector.broadcast %shift_left3A_102 : i32 to vector<2000x128xi32>
    %shift_left3A_104 = arith.shli %xor3A_100, %shift_left3A_103 : vector<2000x128xi32>
    %shift_right_logical3A_105 = arith.constant 16 : i32
    %shift_right_logical3A_106 = vector.broadcast %shift_right_logical3A_105 : i32 to vector<2000x128xi32>
    %shift_right_logical3A_107 = arith.shrui %xor3A_100, %shift_right_logical3A_106 : vector<2000x128xi32>
    %or3A_108 = arith.ori %shift_left3A_104, %shift_right_logical3A_107 : vector<2000x128xi32>
    %xor3A_109 = arith.xori %or3A_108, %add3A_101 : vector<2000x128xi32>
    %add3A_110 = arith.addi %add3A_101, %xor3A_109 : vector<2000x128xi32>
    %shift_left3A_111 = arith.constant 24 : i32
    %shift_left3A_112 = vector.broadcast %shift_left3A_111 : i32 to vector<2000x128xi32>
    %shift_left3A_113 = arith.shli %xor3A_109, %shift_left3A_112 : vector<2000x128xi32>
    %shift_right_logical3A_114 = arith.constant 8 : i32
    %shift_right_logical3A_115 = vector.broadcast %shift_right_logical3A_114 : i32 to vector<2000x128xi32>
    %shift_right_logical3A_116 = arith.shrui %xor3A_109, %shift_right_logical3A_115 : vector<2000x128xi32>
    %or3A_117 = arith.ori %shift_left3A_113, %shift_right_logical3A_116 : vector<2000x128xi32>
    %xor3A_118 = arith.xori %or3A_117, %add3A_110 : vector<2000x128xi32>
    %add3A_119 = arith.constant 466689008 : i32
    %add3A_120 = vector.broadcast %add3A_119 : i32 to vector<2000x128xi32>
    %add3A_121 = arith.addi %add3A_110, %add3A_120 : vector<2000x128xi32>
    %add3A_122 = arith.constant 2 : i32
    %add3A_123 = vector.broadcast %add3A_122 : i32 to vector<2000x128xi32>
    %add3A_124 = arith.addi %xor3A_118, %add3A_123 : vector<2000x128xi32>
    %add3A_125 = arith.addi %add3A_121, %add3A_124 : vector<2000x128xi32>
    %shift_left3A_126 = arith.constant 13 : i32
    %shift_left3A_127 = vector.broadcast %shift_left3A_126 : i32 to vector<2000x128xi32>
    %shift_left3A_128 = arith.shli %add3A_124, %shift_left3A_127 : vector<2000x128xi32>
    %shift_right_logical3A_129 = arith.constant 19 : i32
    %shift_right_logical3A_130 = vector.broadcast %shift_right_logical3A_129 : i32 to vector<2000x128xi32>
    %shift_right_logical3A_131 = arith.shrui %add3A_124, %shift_right_logical3A_130 : vector<2000x128xi32>
    %or3A_132 = arith.ori %shift_left3A_128, %shift_right_logical3A_131 : vector<2000x128xi32>
    %xor3A_133 = arith.xori %or3A_132, %add3A_125 : vector<2000x128xi32>
    %add3A_134 = arith.addi %add3A_125, %xor3A_133 : vector<2000x128xi32>
    %shift_left3A_135 = arith.constant 15 : i32
    %shift_left3A_136 = vector.broadcast %shift_left3A_135 : i32 to vector<2000x128xi32>
    %shift_left3A_137 = arith.shli %xor3A_133, %shift_left3A_136 : vector<2000x128xi32>
    %shift_right_logical3A_138 = arith.constant 17 : i32
    %shift_right_logical3A_139 = vector.broadcast %shift_right_logical3A_138 : i32 to vector<2000x128xi32>
    %shift_right_logical3A_140 = arith.shrui %xor3A_133, %shift_right_logical3A_139 : vector<2000x128xi32>
    %or3A_141 = arith.ori %shift_left3A_137, %shift_right_logical3A_140 : vector<2000x128xi32>
    %xor3A_142 = arith.xori %or3A_141, %add3A_134 : vector<2000x128xi32>
    %add3A_143 = arith.addi %add3A_134, %xor3A_142 : vector<2000x128xi32>
    %shift_left3A_144 = arith.constant 26 : i32
    %shift_left3A_145 = vector.broadcast %shift_left3A_144 : i32 to vector<2000x128xi32>
    %shift_left3A_146 = arith.shli %xor3A_142, %shift_left3A_145 : vector<2000x128xi32>
    %shift_right_logical3A_147 = arith.constant 6 : i32
    %shift_right_logical3A_148 = vector.broadcast %shift_right_logical3A_147 : i32 to vector<2000x128xi32>
    %shift_right_logical3A_149 = arith.shrui %xor3A_142, %shift_right_logical3A_148 : vector<2000x128xi32>
    %or3A_150 = arith.ori %shift_left3A_146, %shift_right_logical3A_149 : vector<2000x128xi32>
    %xor3A_151 = arith.xori %or3A_150, %add3A_143 : vector<2000x128xi32>
    %add3A_152 = arith.addi %add3A_143, %xor3A_151 : vector<2000x128xi32>
    %shift_left3A_153 = arith.constant 6 : i32
    %shift_left3A_154 = vector.broadcast %shift_left3A_153 : i32 to vector<2000x128xi32>
    %shift_left3A_155 = arith.shli %xor3A_151, %shift_left3A_154 : vector<2000x128xi32>
    %shift_right_logical3A_156 = arith.constant 26 : i32
    %shift_right_logical3A_157 = vector.broadcast %shift_right_logical3A_156 : i32 to vector<2000x128xi32>
    %shift_right_logical3A_158 = arith.shrui %xor3A_151, %shift_right_logical3A_157 : vector<2000x128xi32>
    %or3A_159 = arith.ori %shift_left3A_155, %shift_right_logical3A_158 : vector<2000x128xi32>
    %xor3A_160 = arith.xori %or3A_159, %add3A_152 : vector<2000x128xi32>
    %add3A_161 = arith.constant 0 : i32
    %add3A_162 = vector.broadcast %add3A_161 : i32 to vector<2000x128xi32>
    %add3A_163 = arith.addi %add3A_152, %add3A_162 : vector<2000x128xi32>
    %add3A_164 = arith.constant 45 : i32
    %add3A_165 = vector.broadcast %add3A_164 : i32 to vector<2000x128xi32>
    %add3A_166 = arith.addi %xor3A_160, %add3A_165 : vector<2000x128xi32>
    %add3A_167 = arith.addi %add3A_163, %add3A_166 : vector<2000x128xi32>
    %shift_left3A_168 = arith.constant 17 : i32
    %shift_left3A_169 = vector.broadcast %shift_left3A_168 : i32 to vector<2000x128xi32>
    %shift_left3A_170 = arith.shli %add3A_166, %shift_left3A_169 : vector<2000x128xi32>
    %shift_right_logical3A_171 = arith.constant 15 : i32
    %shift_right_logical3A_172 = vector.broadcast %shift_right_logical3A_171 : i32 to vector<2000x128xi32>
    %shift_right_logical3A_173 = arith.shrui %add3A_166, %shift_right_logical3A_172 : vector<2000x128xi32>
    %or3A_174 = arith.ori %shift_left3A_170, %shift_right_logical3A_173 : vector<2000x128xi32>
    %xor3A_175 = arith.xori %or3A_174, %add3A_167 : vector<2000x128xi32>
    %add3A_176 = arith.addi %add3A_167, %xor3A_175 : vector<2000x128xi32>
    %shift_left3A_177 = arith.constant 29 : i32
    %shift_left3A_178 = vector.broadcast %shift_left3A_177 : i32 to vector<2000x128xi32>
    %shift_left3A_179 = arith.shli %xor3A_175, %shift_left3A_178 : vector<2000x128xi32>
    %shift_right_logical3A_180 = arith.constant 3 : i32
    %shift_right_logical3A_181 = vector.broadcast %shift_right_logical3A_180 : i32 to vector<2000x128xi32>
    %shift_right_logical3A_182 = arith.shrui %xor3A_175, %shift_right_logical3A_181 : vector<2000x128xi32>
    %or3A_183 = arith.ori %shift_left3A_179, %shift_right_logical3A_182 : vector<2000x128xi32>
    %xor3A_184 = arith.xori %or3A_183, %add3A_176 : vector<2000x128xi32>
    %add3A_185 = arith.addi %add3A_176, %xor3A_184 : vector<2000x128xi32>
    %shift_left3A_186 = arith.constant 16 : i32
    %shift_left3A_187 = vector.broadcast %shift_left3A_186 : i32 to vector<2000x128xi32>
    %shift_left3A_188 = arith.shli %xor3A_184, %shift_left3A_187 : vector<2000x128xi32>
    %shift_right_logical3A_189 = arith.constant 16 : i32
    %shift_right_logical3A_190 = vector.broadcast %shift_right_logical3A_189 : i32 to vector<2000x128xi32>
    %shift_right_logical3A_191 = arith.shrui %xor3A_184, %shift_right_logical3A_190 : vector<2000x128xi32>
    %or3A_192 = arith.ori %shift_left3A_188, %shift_right_logical3A_191 : vector<2000x128xi32>
    %xor3A_193 = arith.xori %or3A_192, %add3A_185 : vector<2000x128xi32>
    %add3A_194 = arith.addi %add3A_185, %xor3A_193 : vector<2000x128xi32>
    %shift_left3A_195 = arith.constant 24 : i32
    %shift_left3A_196 = vector.broadcast %shift_left3A_195 : i32 to vector<2000x128xi32>
    %shift_left3A_197 = arith.shli %xor3A_193, %shift_left3A_196 : vector<2000x128xi32>
    %shift_right_logical3A_198 = arith.constant 8 : i32
    %shift_right_logical3A_199 = vector.broadcast %shift_right_logical3A_198 : i32 to vector<2000x128xi32>
    %shift_right_logical3A_200 = arith.shrui %xor3A_193, %shift_right_logical3A_199 : vector<2000x128xi32>
    %or3A_201 = arith.ori %shift_left3A_197, %shift_right_logical3A_200 : vector<2000x128xi32>
    %xor3A_202 = arith.xori %or3A_201, %add3A_194 : vector<2000x128xi32>
    %add3A_203 = arith.constant 42 : i32
    %add3A_204 = vector.broadcast %add3A_203 : i32 to vector<2000x128xi32>
    %add3A_205 = arith.addi %add3A_194, %add3A_204 : vector<2000x128xi32>
    %add3A_206 = arith.constant 466689012 : i32
    %add3A_207 = vector.broadcast %add3A_206 : i32 to vector<2000x128xi32>
    %add3A_208 = arith.addi %xor3A_202, %add3A_207 : vector<2000x128xi32>
    %add3A_209 = arith.addi %add3A_205, %add3A_208 : vector<2000x128xi32>
    %shift_left3A_210 = arith.constant 13 : i32
    %shift_left3A_211 = vector.broadcast %shift_left3A_210 : i32 to vector<2000x128xi32>
    %shift_left3A_212 = arith.shli %add3A_208, %shift_left3A_211 : vector<2000x128xi32>
    %shift_right_logical3A_213 = arith.constant 19 : i32
    %shift_right_logical3A_214 = vector.broadcast %shift_right_logical3A_213 : i32 to vector<2000x128xi32>
    %shift_right_logical3A_215 = arith.shrui %add3A_208, %shift_right_logical3A_214 : vector<2000x128xi32>
    %or3A_216 = arith.ori %shift_left3A_212, %shift_right_logical3A_215 : vector<2000x128xi32>
    %xor3A_217 = arith.xori %or3A_216, %add3A_209 : vector<2000x128xi32>
    %add3A_218 = arith.addi %add3A_209, %xor3A_217 : vector<2000x128xi32>
    %shift_left3A_219 = arith.constant 15 : i32
    %shift_left3A_220 = vector.broadcast %shift_left3A_219 : i32 to vector<2000x128xi32>
    %shift_left3A_221 = arith.shli %xor3A_217, %shift_left3A_220 : vector<2000x128xi32>
    %shift_right_logical3A_222 = arith.constant 17 : i32
    %shift_right_logical3A_223 = vector.broadcast %shift_right_logical3A_222 : i32 to vector<2000x128xi32>
    %shift_right_logical3A_224 = arith.shrui %xor3A_217, %shift_right_logical3A_223 : vector<2000x128xi32>
    %or3A_225 = arith.ori %shift_left3A_221, %shift_right_logical3A_224 : vector<2000x128xi32>
    %xor3A_226 = arith.xori %or3A_225, %add3A_218 : vector<2000x128xi32>
    %add3A_227 = arith.addi %add3A_218, %xor3A_226 : vector<2000x128xi32>
    %shift_left3A_228 = arith.constant 26 : i32
    %shift_left3A_229 = vector.broadcast %shift_left3A_228 : i32 to vector<2000x128xi32>
    %shift_left3A_230 = arith.shli %xor3A_226, %shift_left3A_229 : vector<2000x128xi32>
    %shift_right_logical3A_231 = arith.constant 6 : i32
    %shift_right_logical3A_232 = vector.broadcast %shift_right_logical3A_231 : i32 to vector<2000x128xi32>
    %shift_right_logical3A_233 = arith.shrui %xor3A_226, %shift_right_logical3A_232 : vector<2000x128xi32>
    %or3A_234 = arith.ori %shift_left3A_230, %shift_right_logical3A_233 : vector<2000x128xi32>
    %xor3A_235 = arith.xori %or3A_234, %add3A_227 : vector<2000x128xi32>
    %add3A_236 = arith.addi %add3A_227, %xor3A_235 : vector<2000x128xi32>
    %shift_left3A_237 = arith.constant 6 : i32
    %shift_left3A_238 = vector.broadcast %shift_left3A_237 : i32 to vector<2000x128xi32>
    %shift_left3A_239 = arith.shli %xor3A_235, %shift_left3A_238 : vector<2000x128xi32>
    %shift_right_logical3A_240 = arith.constant 26 : i32
    %shift_right_logical3A_241 = vector.broadcast %shift_right_logical3A_240 : i32 to vector<2000x128xi32>
    %shift_right_logical3A_242 = arith.shrui %xor3A_235, %shift_right_logical3A_241 : vector<2000x128xi32>
    %or3A_243 = arith.ori %shift_left3A_239, %shift_right_logical3A_242 : vector<2000x128xi32>
    %xor3A_244 = arith.xori %or3A_243, %add3A_236 : vector<2000x128xi32>
    %add3A_245 = arith.constant 466689008 : i32
    %add3A_246 = vector.broadcast %add3A_245 : i32 to vector<2000x128xi32>
    %add3A_247 = arith.addi %add3A_236, %add3A_246 : vector<2000x128xi32>
    %add3A_248 = arith.constant 5 : i32
    %add3A_249 = vector.broadcast %add3A_248 : i32 to vector<2000x128xi32>
    %add3A_250 = arith.addi %xor3A_244, %add3A_249 : vector<2000x128xi32>
    %xor3A_251 = arith.xori %add3A_247, %add3A_250 : vector<2000x128xi32>
    %lt3A = arith.constant -2147483648 : i32
    %lt3A_252 = vector.broadcast %lt3A : i32 to vector<2000x128xi32>
    %lt3A_253 = arith.cmpi ult, %xor3A_251, %lt3A_252 : vector<2000x128xi32>
    %get3A = arith.constant 0 : index
    %get3A_254 = arith.constant 0 : index
    %get3A_255 = vector.load %arg1[%get3A, %get3A_254] : memref<2000x128xf32, #tpu.memory_space<vmem>>, vector<2000x64xf32>
    %get3A_256 = arith.constant 0 : index
    %get3A_257 = arith.constant 0 : index
    %get3A_258 = vector.load %arg2[%get3A_256, %get3A_257] : memref<2000x128xf32, #tpu.memory_space<vmem>>, vector<2000x64xf32>
    %concatenate3A = tpu.concatenate %get3A_255, %get3A_258 in 1 : vector<2000x64xf32>, vector<2000x64xf32> -> vector<2000x128xf32>
    %mul3A_259 = arith.constant 2.000000e+00 : f32
    %mul3A_260 = vector.broadcast %mul3A_259 : f32 to vector<2000x128xf32>
    %mul3A_261 = arith.mulf %concatenate3A, %mul3A_260 : vector<2000x128xf32>
    %jit3A_262 = arith.constant 0.000000e+00 : f32
    %broadcast_in_dim3A_263 = vector.broadcast %jit3A_262 : f32 to vector<2000x128xf32>
    %select_n3A_264 = arith.select %lt3A_253, %mul3A_261, %broadcast_in_dim3A_263 : vector<2000x128xi1>, vector<2000x128xf32>
    %swap3A = arith.constant 0 : index
    %swap3A_265 = arith.constant 0 : index
    %swap3A_266 = vector.load %arg3[%swap3A, %swap3A_265] : memref<2000x128xf32, #tpu.memory_space<vmem>>, vector<2000x128xf32>
    tpu.vector_store %arg3[%swap3A, %swap3A_265], %select_n3A_264 {strides = array<i32>} : memref<2000x128xf32, #tpu.memory_space<vmem>>, vector<2000x128xf32>,
    return
  }
  func.func @transform_0(%arg0: i32) -> (i32, i32) {
    %c0_i32 = arith.constant 0 : i32
    %c0_i32_0 = arith.constant 0 : i32
    return %arg0, %c0_i32 : i32, i32
  }
  func.func @transform_1(%arg0: i32) -> (i32, i32) {
    %add3A = arith.constant 25 : i32
    %add3A_0 = arith.addi %arg0, %add3A : i32
    %c0_i32 = arith.constant 0 : i32
    %c0_i32_1 = arith.constant 0 : i32
    return %add3A_0, %c0_i32 : i32, i32
  }
  func.func @transform_2(%arg0: i32) -> (i32, i32) {
    %c0_i32 = arith.constant 0 : i32
    %c0_i32_0 = arith.constant 0 : i32
    return %arg0, %c0_i32 : i32, i32
  }
}

module attributes {stable_mosaic.version = 14 : i64} {
  func.func @body(%arg0: i32, %arg1: memref<2000x128xf32, #tpu.memory_space<vmem>>, %arg2: memref<2000x128xf32, #tpu.memory_space<vmem>>, %arg3: memref<2000x128xf32, #tpu.memory_space<vmem>>) attributes {dimension_semantics = [#tpu.dimension_semantics<arbitrary>], iteration_bounds = array<i64: 25>, scalar_prefetch = 0 : i64, scratch_operands = 0 : i64, tpu.core_type = #tpu.core_type<tc>, window_params = [{transform_indices = @transform_0, window_bounds = array<i64: 2000, 128>}, {transform_indices = @transform_1, window_bounds = array<i64: 2000, 128>}, {transform_indices = @transform_2, window_bounds = array<i64: 2000, 128>}]} {
    %iota3A = tpu.iota {dimensions = array<i32: 0>} : vector<2000x128xi32>
    %iota3A_0 = tpu.iota {dimensions = array<i32: 1>} : vector<2000x128xi32>
    %jit3A = arith.constant 64 : i32
    %div3A = vector.broadcast %jit3A : i32 to vector<2000x128xi32>
    %div3A_1 = arith.divsi %iota3A_0, %div3A : vector<2000x128xi32>
    %sign3A = arith.constant 0 : i32
    %sign3A_2 = vector.broadcast %sign3A : i32 to vector<2000x128xi32>
    %sign3A_3 = arith.cmpi sgt, %iota3A_0, %sign3A_2 : vector<2000x128xi32>
    %sign3A_4 = arith.extui %sign3A_3 : vector<2000x128xi1> to vector<2000x128xi32>
    %sign3A_5 = arith.constant 0 : i32
    %sign3A_6 = vector.broadcast %sign3A_5 : i32 to vector<2000x128xi32>
    %sign3A_7 = arith.cmpi slt, %iota3A_0, %sign3A_6 : vector<2000x128xi32>
    %sign3A_8 = arith.extui %sign3A_7 : vector<2000x128xi1> to vector<2000x128xi32>
    %sign3A_9 = arith.subi %sign3A_4, %sign3A_8 : vector<2000x128xi32>
    %sign3A_10 = arith.constant 0 : i32
    %sign3A_11 = arith.cmpi sgt, %jit3A, %sign3A_10 : i32
    %sign3A_12 = arith.extui %sign3A_11 : i1 to i32
    %sign3A_13 = arith.constant 0 : i32
    %sign3A_14 = arith.cmpi slt, %jit3A, %sign3A_13 : i32
    %sign3A_15 = arith.extui %sign3A_14 : i1 to i32
    %sign3A_16 = arith.subi %sign3A_12, %sign3A_15 : i32
    %ne3A = vector.broadcast %sign3A_16 : i32 to vector<2000x128xi32>
    %ne3A_17 = arith.cmpi ne, %sign3A_9, %ne3A : vector<2000x128xi32>
    %rem3A = vector.broadcast %jit3A : i32 to vector<2000x128xi32>
    %rem3A_18 = arith.remsi %iota3A_0, %rem3A : vector<2000x128xi32>
    %ne3A_19 = arith.constant 0 : i32
    %ne3A_20 = vector.broadcast %ne3A_19 : i32 to vector<2000x128xi32>
    %ne3A_21 = arith.cmpi ne, %rem3A_18, %ne3A_20 : vector<2000x128xi32>
    %and3A = arith.andi %ne3A_17, %ne3A_21 : vector<2000x128xi1>
    %sub3A = arith.constant 1 : i32
    %sub3A_22 = vector.broadcast %sub3A : i32 to vector<2000x128xi32>
    %sub3A_23 = arith.subi %div3A_1, %sub3A_22 : vector<2000x128xi32>
    %select_n3A = arith.select %and3A, %sub3A_23, %div3A_1 : vector<2000x128xi1>, vector<2000x128xi32>
    %mul3A = arith.constant 2000 : i32
    %mul3A_24 = arith.muli %arg0, %mul3A : i32
    %add3A = vector.broadcast %mul3A_24 : i32 to vector<2000x128xi32>
    %add3A_25 = arith.addi %add3A, %iota3A : vector<2000x128xi32>
    %mul3A_26 = arith.constant 50000 : i32
    %mul3A_27 = vector.broadcast %mul3A_26 : i32 to vector<2000x128xi32>
    %mul3A_28 = arith.muli %select_n3A, %mul3A_27 : vector<2000x128xi32>
    %add3A_29 = arith.addi %add3A_25, %mul3A_28 : vector<2000x128xi32>
    %mul3A_30 = arith.constant 128 : i32
    %mul3A_31 = vector.broadcast %mul3A_30 : i32 to vector<2000x128xi32>
    %mul3A_32 = arith.muli %add3A_29, %mul3A_31 : vector<2000x128xi32>
    %add3A_33 = arith.constant 64 : i32
    %add3A_34 = vector.broadcast %add3A_33 : i32 to vector<2000x128xi32>
    %add3A_35 = arith.addi %mul3A_32, %add3A_34 : vector<2000x128xi32>
    %mul3A_36 = arith.constant 64 : i32
    %mul3A_37 = vector.broadcast %mul3A_36 : i32 to vector<2000x128xi32>
    %mul3A_38 = arith.muli %select_n3A, %mul3A_37 : vector<2000x128xi32>
    %sub3A_39 = arith.subi %iota3A_0, %mul3A_38 : vector<2000x128xi32>
    %add3A_40 = arith.addi %add3A_35, %sub3A_39 : vector<2000x128xi32>
    %add3A_41 = arith.constant 42 : i32
    %add3A_42 = vector.broadcast %add3A_41 : i32 to vector<2000x128xi32>
    %add3A_43 = arith.addi %add3A_40, %add3A_42 : vector<2000x128xi32>
    %broadcast_in_dim3A = arith.constant 0 : i32
    %broadcast_in_dim3A_44 = vector.broadcast %broadcast_in_dim3A : i32 to vector<2000x128xi32>
    %add3A_45 = arith.addi %broadcast_in_dim3A_44, %add3A_43 : vector<2000x128xi32>
    %shift_left3A = arith.constant 13 : i32
    %shift_left3A_46 = vector.broadcast %shift_left3A : i32 to vector<2000x128xi32>
    %shift_left3A_47 = arith.shli %add3A_43, %shift_left3A_46 : vector<2000x128xi32>
    %shift_right_logical3A = arith.constant 19 : i32
    %shift_right_logical3A_48 = vector.broadcast %shift_right_logical3A : i32 to vector<2000x128xi32>
    %shift_right_logical3A_49 = arith.shrui %add3A_43, %shift_right_logical3A_48 : vector<2000x128xi32>
    %or3A = arith.ori %shift_left3A_47, %shift_right_logical3A_49 : vector<2000x128xi32>
    %xor3A = arith.xori %or3A, %add3A_45 : vector<2000x128xi32>
    %add3A_50 = arith.addi %add3A_45, %xor3A : vector<2000x128xi32>
    %shift_left3A_51 = arith.constant 15 : i32
    %shift_left3A_52 = vector.broadcast %shift_left3A_51 : i32 to vector<2000x128xi32>
    %shift_left3A_53 = arith.shli %xor3A, %shift_left3A_52 : vector<2000x128xi32>
    %shift_right_logical3A_54 = arith.constant 17 : i32
    %shift_right_logical3A_55 = vector.broadcast %shift_right_logical3A_54 : i32 to vector<2000x128xi32>
    %shift_right_logical3A_56 = arith.shrui %xor3A, %shift_right_logical3A_55 : vector<2000x128xi32>
    %or3A_57 = arith.ori %shift_left3A_53, %shift_right_logical3A_56 : vector<2000x128xi32>
    %xor3A_58 = arith.xori %or3A_57, %add3A_50 : vector<2000x128xi32>
    %add3A_59 = arith.addi %add3A_50, %xor3A_58 : vector<2000x128xi32>
    %shift_left3A_60 = arith.constant 26 : i32
    %shift_left3A_61 = vector.broadcast %shift_left3A_60 : i32 to vector<2000x128xi32>
    %shift_left3A_62 = arith.shli %xor3A_58, %shift_left3A_61 : vector<2000x128xi32>
    %shift_right_logical3A_63 = arith.constant 6 : i32
    %shift_right_logical3A_64 = vector.broadcast %shift_right_logical3A_63 : i32 to vector<2000x128xi32>
    %shift_right_logical3A_65 = arith.shrui %xor3A_58, %shift_right_logical3A_64 : vector<2000x128xi32>
    %or3A_66 = arith.ori %shift_left3A_62, %shift_right_logical3A_65 : vector<2000x128xi32>
    %xor3A_67 = arith.xori %or3A_66, %add3A_59 : vector<2000x128xi32>
    %add3A_68 = arith.addi %add3A_59, %xor3A_67 : vector<2000x128xi32>
    %shift_left3A_69 = arith.constant 6 : i32
    %shift_left3A_70 = vector.broadcast %shift_left3A_69 : i32 to vector<2000x128xi32>
    %shift_left3A_71 = arith.shli %xor3A_67, %shift_left3A_70 : vector<2000x128xi32>
    %shift_right_logical3A_72 = arith.constant 26 : i32
    %shift_right_logical3A_73 = vector.broadcast %shift_right_logical3A_72 : i32 to vector<2000x128xi32>
    %shift_right_logical3A_74 = arith.shrui %xor3A_67, %shift_right_logical3A_73 : vector<2000x128xi32>
    %or3A_75 = arith.ori %shift_left3A_71, %shift_right_logical3A_74 : vector<2000x128xi32>
    %xor3A_76 = arith.xori %or3A_75, %add3A_68 : vector<2000x128xi32>
    %add3A_77 = arith.constant 42 : i32
    %add3A_78 = vector.broadcast %add3A_77 : i32 to vector<2000x128xi32>
    %add3A_79 = arith.addi %add3A_68, %add3A_78 : vector<2000x128xi32>
    %add3A_80 = arith.constant 466689009 : i32
    %add3A_81 = vector.broadcast %add3A_80 : i32 to vector<2000x128xi32>
    %add3A_82 = arith.addi %xor3A_76, %add3A_81 : vector<2000x128xi32>
    %add3A_83 = arith.addi %add3A_79, %add3A_82 : vector<2000x128xi32>
    %shift_left3A_84 = arith.constant 17 : i32
    %shift_left3A_85 = vector.broadcast %shift_left3A_84 : i32 to vector<2000x128xi32>
    %shift_left3A_86 = arith.shli %add3A_82, %shift_left3A_85 : vector<2000x128xi32>
    %shift_right_logical3A_87 = arith.constant 15 : i32
    %shift_right_logical3A_88 = vector.broadcast %shift_right_logical3A_87 : i32 to vector<2000x128xi32>
    %shift_right_logical3A_89 = arith.shrui %add3A_82, %shift_right_logical3A_88 : vector<2000x128xi32>
    %or3A_90 = arith.ori %shift_left3A_86, %shift_right_logical3A_89 : vector<2000x128xi32>
    %xor3A_91 = arith.xori %or3A_90, %add3A_83 : vector<2000x128xi32>
    %add3A_92 = arith.addi %add3A_83, %xor3A_91 : vector<2000x128xi32>
    %shift_left3A_93 = arith.constant 29 : i32
    %shift_left3A_94 = vector.broadcast %shift_left3A_93 : i32 to vector<2000x128xi32>
    %shift_left3A_95 = arith.shli %xor3A_91, %shift_left3A_94 : vector<2000x128xi32>
    %shift_right_logical3A_96 = arith.constant 3 : i32
    %shift_right_logical3A_97 = vector.broadcast %shift_right_logical3A_96 : i32 to vector<2000x128xi32>
    %shift_right_logical3A_98 = arith.shrui %xor3A_91, %shift_right_logical3A_97 : vector<2000x128xi32>
    %or3A_99 = arith.ori %shift_left3A_95, %shift_right_logical3A_98 : vector<2000x128xi32>
    %xor3A_100 = arith.xori %or3A_99, %add3A_92 : vector<2000x128xi32>
    %add3A_101 = arith.addi %add3A_92, %xor3A_100 : vector<2000x128xi32>
    %shift_left3A_102 = arith.constant 16 : i32
    %shift_left3A_103 = vector.broadcast %shift_left3A_102 : i32 to vector<2000x128xi32>
    %shift_left3A_104 = arith.shli %xor3A_100, %shift_left3A_103 : vector<2000x128xi32>
    %shift_right_logical3A_105 = arith.constant 16 : i32
    %shift_right_logical3A_106 = vector.broadcast %shift_right_logical3A_105 : i32 to vector<2000x128xi32>
    %shift_right_logical3A_107 = arith.shrui %xor3A_100, %shift_right_logical3A_106 : vector<2000x128xi32>
    %or3A_108 = arith.ori %shift_left3A_104, %shift_right_logical3A_107 : vector<2000x128xi32>
    %xor3A_109 = arith.xori %or3A_108, %add3A_101 : vector<2000x128xi32>
    %add3A_110 = arith.addi %add3A_101, %xor3A_109 : vector<2000x128xi32>
    %shift_left3A_111 = arith.constant 24 : i32
    %shift_left3A_112 = vector.broadcast %shift_left3A_111 : i32 to vector<2000x128xi32>
    %shift_left3A_113 = arith.shli %xor3A_109, %shift_left3A_112 : vector<2000x128xi32>
    %shift_right_logical3A_114 = arith.constant 8 : i32
    %shift_right_logical3A_115 = vector.broadcast %shift_right_logical3A_114 : i32 to vector<2000x128xi32>
    %shift_right_logical3A_116 = arith.shrui %xor3A_109, %shift_right_logical3A_115 : vector<2000x128xi32>
    %or3A_117 = arith.ori %shift_left3A_113, %shift_right_logical3A_116 : vector<2000x128xi32>
    %xor3A_118 = arith.xori %or3A_117, %add3A_110 : vector<2000x128xi32>
    %add3A_119 = arith.constant 466689008 : i32
    %add3A_120 = vector.broadcast %add3A_119 : i32 to vector<2000x128xi32>
    %add3A_121 = arith.addi %add3A_110, %add3A_120 : vector<2000x128xi32>
    %add3A_122 = arith.constant 2 : i32
    %add3A_123 = vector.broadcast %add3A_122 : i32 to vector<2000x128xi32>
    %add3A_124 = arith.addi %xor3A_118, %add3A_123 : vector<2000x128xi32>
    %add3A_125 = arith.addi %add3A_121, %add3A_124 : vector<2000x128xi32>
    %shift_left3A_126 = arith.constant 13 : i32
    %shift_left3A_127 = vector.broadcast %shift_left3A_126 : i32 to vector<2000x128xi32>
    %shift_left3A_128 = arith.shli %add3A_124, %shift_left3A_127 : vector<2000x128xi32>
    %shift_right_logical3A_129 = arith.constant 19 : i32
    %shift_right_logical3A_130 = vector.broadcast %shift_right_logical3A_129 : i32 to vector<2000x128xi32>
    %shift_right_logical3A_131 = arith.shrui %add3A_124, %shift_right_logical3A_130 : vector<2000x128xi32>
    %or3A_132 = arith.ori %shift_left3A_128, %shift_right_logical3A_131 : vector<2000x128xi32>
    %xor3A_133 = arith.xori %or3A_132, %add3A_125 : vector<2000x128xi32>
    %add3A_134 = arith.addi %add3A_125, %xor3A_133 : vector<2000x128xi32>
    %shift_left3A_135 = arith.constant 15 : i32
    %shift_left3A_136 = vector.broadcast %shift_left3A_135 : i32 to vector<2000x128xi32>
    %shift_left3A_137 = arith.shli %xor3A_133, %shift_left3A_136 : vector<2000x128xi32>
    %shift_right_logical3A_138 = arith.constant 17 : i32
    %shift_right_logical3A_139 = vector.broadcast %shift_right_logical3A_138 : i32 to vector<2000x128xi32>
    %shift_right_logical3A_140 = arith.shrui %xor3A_133, %shift_right_logical3A_139 : vector<2000x128xi32>
    %or3A_141 = arith.ori %shift_left3A_137, %shift_right_logical3A_140 : vector<2000x128xi32>
    %xor3A_142 = arith.xori %or3A_141, %add3A_134 : vector<2000x128xi32>
    %add3A_143 = arith.addi %add3A_134, %xor3A_142 : vector<2000x128xi32>
    %shift_left3A_144 = arith.constant 26 : i32
    %shift_left3A_145 = vector.broadcast %shift_left3A_144 : i32 to vector<2000x128xi32>
    %shift_left3A_146 = arith.shli %xor3A_142, %shift_left3A_145 : vector<2000x128xi32>
    %shift_right_logical3A_147 = arith.constant 6 : i32
    %shift_right_logical3A_148 = vector.broadcast %shift_right_logical3A_147 : i32 to vector<2000x128xi32>
    %shift_right_logical3A_149 = arith.shrui %xor3A_142, %shift_right_logical3A_148 : vector<2000x128xi32>
    %or3A_150 = arith.ori %shift_left3A_146, %shift_right_logical3A_149 : vector<2000x128xi32>
    %xor3A_151 = arith.xori %or3A_150, %add3A_143 : vector<2000x128xi32>
    %add3A_152 = arith.addi %add3A_143, %xor3A_151 : vector<2000x128xi32>
    %shift_left3A_153 = arith.constant 6 : i32
    %shift_left3A_154 = vector.broadcast %shift_left3A_153 : i32 to vector<2000x128xi32>
    %shift_left3A_155 = arith.shli %xor3A_151, %shift_left3A_154 : vector<2000x128xi32>
    %shift_right_logical3A_156 = arith.constant 26 : i32
    %shift_right_logical3A_157 = vector.broadcast %shift_right_logical3A_156 : i32 to vector<2000x128xi32>
    %shift_right_logical3A_158 = arith.shrui %xor3A_151, %shift_right_logical3A_157 : vector<2000x128xi32>
    %or3A_159 = arith.ori %shift_left3A_155, %shift_right_logical3A_158 : vector<2000x128xi32>
    %xor3A_160 = arith.xori %or3A_159, %add3A_152 : vector<2000x128xi32>
    %add3A_161 = arith.constant 0 : i32
    %add3A_162 = vector.broadcast %add3A_161 : i32 to vector<2000x128xi32>
    %add3A_163 = arith.addi %add3A_152, %add3A_162 : vector<2000x128xi32>
    %add3A_164 = arith.constant 45 : i32
    %add3A_165 = vector.broadcast %add3A_164 : i32 to vector<2000x128xi32>
    %add3A_166 = arith.addi %xor3A_160, %add3A_165 : vector<2000x128xi32>
    %add3A_167 = arith.addi %add3A_163, %add3A_166 : vector<2000x128xi32>
    %shift_left3A_168 = arith.constant 17 : i32
    %shift_left3A_169 = vector.broadcast %shift_left3A_168 : i32 to vector<2000x128xi32>
    %shift_left3A_170 = arith.shli %add3A_166, %shift_left3A_169 : vector<2000x128xi32>
    %shift_right_logical3A_171 = arith.constant 15 : i32
    %shift_right_logical3A_172 = vector.broadcast %shift_right_logical3A_171 : i32 to vector<2000x128xi32>
    %shift_right_logical3A_173 = arith.shrui %add3A_166, %shift_right_logical3A_172 : vector<2000x128xi32>
    %or3A_174 = arith.ori %shift_left3A_170, %shift_right_logical3A_173 : vector<2000x128xi32>
    %xor3A_175 = arith.xori %or3A_174, %add3A_167 : vector<2000x128xi32>
    %add3A_176 = arith.addi %add3A_167, %xor3A_175 : vector<2000x128xi32>
    %shift_left3A_177 = arith.constant 29 : i32
    %shift_left3A_178 = vector.broadcast %shift_left3A_177 : i32 to vector<2000x128xi32>
    %shift_left3A_179 = arith.shli %xor3A_175, %shift_left3A_178 : vector<2000x128xi32>
    %shift_right_logical3A_180 = arith.constant 3 : i32
    %shift_right_logical3A_181 = vector.broadcast %shift_right_logical3A_180 : i32 to vector<2000x128xi32>
    %shift_right_logical3A_182 = arith.shrui %xor3A_175, %shift_right_logical3A_181 : vector<2000x128xi32>
    %or3A_183 = arith.ori %shift_left3A_179, %shift_right_logical3A_182 : vector<2000x128xi32>
    %xor3A_184 = arith.xori %or3A_183, %add3A_176 : vector<2000x128xi32>
    %add3A_185 = arith.addi %add3A_176, %xor3A_184 : vector<2000x128xi32>
    %shift_left3A_186 = arith.constant 16 : i32
    %shift_left3A_187 = vector.broadcast %shift_left3A_186 : i32 to vector<2000x128xi32>
    %shift_left3A_188 = arith.shli %xor3A_184, %shift_left3A_187 : vector<2000x128xi32>
    %shift_right_logical3A_189 = arith.constant 16 : i32
    %shift_right_logical3A_190 = vector.broadcast %shift_right_logical3A_189 : i32 to vector<2000x128xi32>
    %shift_right_logical3A_191 = arith.shrui %xor3A_184, %shift_right_logical3A_190 : vector<2000x128xi32>
    %or3A_192 = arith.ori %shift_left3A_188, %shift_right_logical3A_191 : vector<2000x128xi32>
    %xor3A_193 = arith.xori %or3A_192, %add3A_185 : vector<2000x128xi32>
    %add3A_194 = arith.addi %add3A_185, %xor3A_193 : vector<2000x128xi32>
    %shift_left3A_195 = arith.constant 24 : i32
    %shift_left3A_196 = vector.broadcast %shift_left3A_195 : i32 to vector<2000x128xi32>
    %shift_left3A_197 = arith.shli %xor3A_193, %shift_left3A_196 : vector<2000x128xi32>
    %shift_right_logical3A_198 = arith.constant 8 : i32
    %shift_right_logical3A_199 = vector.broadcast %shift_right_logical3A_198 : i32 to vector<2000x128xi32>
    %shift_right_logical3A_200 = arith.shrui %xor3A_193, %shift_right_logical3A_199 : vector<2000x128xi32>
    %or3A_201 = arith.ori %shift_left3A_197, %shift_right_logical3A_200 : vector<2000x128xi32>
    %xor3A_202 = arith.xori %or3A_201, %add3A_194 : vector<2000x128xi32>
    %add3A_203 = arith.constant 42 : i32
    %add3A_204 = vector.broadcast %add3A_203 : i32 to vector<2000x128xi32>
    %add3A_205 = arith.addi %add3A_194, %add3A_204 : vector<2000x128xi32>
    %add3A_206 = arith.constant 466689012 : i32
    %add3A_207 = vector.broadcast %add3A_206 : i32 to vector<2000x128xi32>
    %add3A_208 = arith.addi %xor3A_202, %add3A_207 : vector<2000x128xi32>
    %add3A_209 = arith.addi %add3A_205, %add3A_208 : vector<2000x128xi32>
    %shift_left3A_210 = arith.constant 13 : i32
    %shift_left3A_211 = vector.broadcast %shift_left3A_210 : i32 to vector<2000x128xi32>
    %shift_left3A_212 = arith.shli %add3A_208, %shift_left3A_211 : vector<2000x128xi32>
    %shift_right_logical3A_213 = arith.constant 19 : i32
    %shift_right_logical3A_214 = vector.broadcast %shift_right_logical3A_213 : i32 to vector<2000x128xi32>
    %shift_right_logical3A_215 = arith.shrui %add3A_208, %shift_right_logical3A_214 : vector<2000x128xi32>
    %or3A_216 = arith.ori %shift_left3A_212, %shift_right_logical3A_215 : vector<2000x128xi32>
    %xor3A_217 = arith.xori %or3A_216, %add3A_209 : vector<2000x128xi32>
    %add3A_218 = arith.addi %add3A_209, %xor3A_217 : vector<2000x128xi32>
    %shift_left3A_219 = arith.constant 15 : i32
    %shift_left3A_220 = vector.broadcast %shift_left3A_219 : i32 to vector<2000x128xi32>
    %shift_left3A_221 = arith.shli %xor3A_217, %shift_left3A_220 : vector<2000x128xi32>
    %shift_right_logical3A_222 = arith.constant 17 : i32
    %shift_right_logical3A_223 = vector.broadcast %shift_right_logical3A_222 : i32 to vector<2000x128xi32>
    %shift_right_logical3A_224 = arith.shrui %xor3A_217, %shift_right_logical3A_223 : vector<2000x128xi32>
    %or3A_225 = arith.ori %shift_left3A_221, %shift_right_logical3A_224 : vector<2000x128xi32>
    %xor3A_226 = arith.xori %or3A_225, %add3A_218 : vector<2000x128xi32>
    %add3A_227 = arith.addi %add3A_218, %xor3A_226 : vector<2000x128xi32>
    %shift_left3A_228 = arith.constant 26 : i32
    %shift_left3A_229 = vector.broadcast %shift_left3A_228 : i32 to vector<2000x128xi32>
    %shift_left3A_230 = arith.shli %xor3A_226, %shift_left3A_229 : vector<2000x128xi32>
    %shift_right_logical3A_231 = arith.constant 6 : i32
    %shift_right_logical3A_232 = vector.broadcast %shift_right_logical3A_231 : i32 to vector<2000x128xi32>
    %shift_right_logical3A_233 = arith.shrui %xor3A_226, %shift_right_logical3A_232 : vector<2000x128xi32>
    %or3A_234 = arith.ori %shift_left3A_230, %shift_right_logical3A_233 : vector<2000x128xi32>
    %xor3A_235 = arith.xori %or3A_234, %add3A_227 : vector<2000x128xi32>
    %add3A_236 = arith.addi %add3A_227, %xor3A_235 : vector<2000x128xi32>
    %shift_left3A_237 = arith.constant 6 : i32
    %shift_left3A_238 = vector.broadcast %shift_left3A_237 : i32 to vector<2000x128xi32>
    %shift_left3A_239 = arith.shli %xor3A_235, %shift_left3A_238 : vector<2000x128xi32>
    %shift_right_logical3A_240 = arith.constant 26 : i32
    %shift_right_logical3A_241 = vector.broadcast %shift_right_logical3A_240 : i32 to vector<2000x128xi32>
    %shift_right_logical3A_242 = arith.shrui %xor3A_235, %shift_right_logical3A_241 : vector<2000x128xi32>
    %or3A_243 = arith.ori %shift_left3A_239, %shift_right_logical3A_242 : vector<2000x128xi32>
    %xor3A_244 = arith.xori %or3A_243, %add3A_236 : vector<2000x128xi32>
    %add3A_245 = arith.constant 466689008 : i32
    %add3A_246 = vector.broadcast %add3A_245 : i32 to vector<2000x128xi32>
    %add3A_247 = arith.addi %add3A_236, %add3A_246 : vector<2000x128xi32>
    %add3A_248 = arith.constant 5 : i32
    %add3A_249 = vector.broadcast %add3A_248 : i32 to vector<2000x128xi32>
    %add3A_250 = arith.addi %xor3A_244, %add3A_249 : vector<2000x128xi32>
    %xor3A_251 = arith.xori %add3A_247, %add3A_250 : vector<2000x128xi32>
    %lt3A = arith.constant -2147483648 : i32
    %lt3A_252 = vector.broadcast %lt3A : i32 to vector<2000x128xi32>
    %lt3A_253 = arith.cmpi ult, %xor3A_251, %lt3A_252 : vector<2000x128xi32>
    %get3A = arith.constant 0 : index
    %get3A_254 = arith.constant 64 : index
    %get3A_255 = vector.load %arg1[%get3A, %get3A_254] : memref<2000x128xf32, #tpu.memory_space<vmem>>, vector<2000x64xf32>
    %get3A_256 = arith.constant 0 : index
    %get3A_257 = arith.constant 64 : index
    %get3A_258 = vector.load %arg2[%get3A_256, %get3A_257] : memref<2000x128xf32, #tpu.memory_space<vmem>>, vector<2000x64xf32>
    %concatenate3A = tpu.concatenate %get3A_255, %get3A_258 in 1 : vector<2000x64xf32>, vector<2000x64xf32> -> vector<2000x128xf32>
    %mul3A_259 = arith.constant 2.000000e+00 : f32
    %mul3A_260 = vector.broadcast %mul3A_259 : f32 to vector<2000x128xf32>
    %mul3A_261 = arith.mulf %concatenate3A, %mul3A_260 : vector<2000x128xf32>
    %jit3A_262 = arith.constant 0.000000e+00 : f32
    %broadcast_in_dim3A_263 = vector.broadcast %jit3A_262 : f32 to vector<2000x128xf32>
    %select_n3A_264 = arith.select %lt3A_253, %mul3A_261, %broadcast_in_dim3A_263 : vector<2000x128xi1>, vector<2000x128xf32>
    %swap3A = arith.constant 0 : index
    %swap3A_265 = arith.constant 0 : index
    %swap3A_266 = vector.load %arg3[%swap3A, %swap3A_265] : memref<2000x128xf32, #tpu.memory_space<vmem>>, vector<2000x128xf32>
    tpu.vector_store %arg3[%swap3A, %swap3A_265], %select_n3A_264 {strides = array<i32>} : memref<2000x128xf32, #tpu.memory_space<vmem>>, vector<2000x128xf32>,
    return
  }
  func.func @transform_0(%arg0: i32) -> (i32, i32) {
    %c0_i32 = arith.constant 0 : i32
    %c0_i32_0 = arith.constant 0 : i32
    return %arg0, %c0_i32 : i32, i32
  }
  func.func @transform_1(%arg0: i32) -> (i32, i32) {
    %add3A = arith.constant 25 : i32
    %add3A_0 = arith.addi %arg0, %add3A : i32
    %c0_i32 = arith.constant 0 : i32
    %c0_i32_1 = arith.constant 0 : i32
    return %add3A_0, %c0_i32 : i32, i32
  }
  func.func @transform_2(%arg0: i32) -> (i32, i32) {
    %c0_i32 = arith.constant 0 : i32
    %c0_i32_0 = arith.constant 0 : i32
    return %arg0, %c0_i32 : i32, i32
  }
}

</mosaic_0001>

<sc_bundles>
// kernel: kernel.6.cloned.1.call-start
scs
__scs_entry_jumppad:
0x0: {  	(pc) =	sbr.rel $0x88, $3  }
0x1: {  	(tag) =	ssettag $0x0;
	lr =	simm.s32 $0x1  }
0x2: {  	[smem:$0x3F9F] =	sst lr;
	_ =	strace $0xD0000000  }
0x3: {  	_ = 	snop  }
0x4: {  	_ = 	snop  }
0x5: {  	_ = 	snop  }
0x6: {  	_ = 	snop  }
0x7: {  	_ = 	snop  }
__scs_overlays_trampoline_lowered:
0x8: {  	[smem:$0x3FAE] =	sst s0  }
0x9: {  	[smem:$0x3FAF] =	sst s1  }
0xa: {  	[smem:$0x3FB0] =	sst s2  }
0xb: {  	[smem:$0x3FB1] =	sst s3  }
0xc: {  	[smem:$0x3FB2] =	sst s4  }
0xd: {  	[smem:$0x3FB3] =	sst s5  }
0xe: {  	[smem:$0x3FB4] =	sst s6  }
0xf: {  	[smem:$0x3FB5] =	sst s7  }
0x10: {  	[smem:$0x3FB6] =	sst s8  }
0x11: {  	[smem:$0x3FB7] =	sst s9;
	s0 =	simm.s32 @!p0 $0x0  }
0x12: {  	s1 =	sld [smem:$0x3F9D];
	s0 =	simm.s32 @p0 $0x1  }
0x13: {  	[smem:$0x3FB8] =	sst s0;
	s0 =	simm.s32 @!p1 $0x0  }
0x14: {  	s2 =	sld [smem:$0x3F9C];
	s0 =	simm.s32 @p1 $0x1  }
0x15: {  	[smem:$0x3FB9] =	sst s0;
	s0 =	simm.s32 @!p2 $0x0  }
0x16: {  	s3 =	sld [smem:$0x3FDB];
	s0 =	simm.s32 @p2 $0x1  }
0x17: {  	s4 =	simm.s32 $0x1BF5;
	[smem:$0x3FBB] =	sst s0  }
0x18: {  	s0 =	sld [smem:$0x3F9E];
	_ =	swait.ge [sflag:s4], $0x0  }
0x19: {  	s7 =	sld [smem:$0x3F9F]  }
0x1a: {  	s8 =	sadd.s32 $0xFFFFE003, lr  }
0x1b: {  	s9 =	sadd.s32 $0xFFFFFEF7, lr;
	s5 =	simm.s32 $0xFFFFFFFF;
	p2 =	slt.u32 s8, $0xFFFFF086  }
0x1c: {  	p1 =	slt.u32 s9, $0xF7A;
	s5 =	simm.s32 @!p2 $0x0  }
0x1d: {  	s5 =	simm.s32 @p1 $0x1;
	p0 =	seq.s32 s7, s2  }
0x1e: {  	s7 =	smul.u32 @!p0 $0xF7A, s2;
	p2 =	seq.s32 @!p0 s5, $0x0  }
0x1f: {  	s9 =	smul.u32 $0xF7A, s1;
	s8 =	simm.s32 @!p0 $0x1BF5;
	p2 =	por !p2, p0  }
0x20: {  	[sflag:s8] =	ssyncset.s32 @!p0 $0xFFFFF086;
	s6 =	sadd.s32 @!p0 s3, s7;
	s7 =	simm.s32 @!p0 $0x108  }
0x21: {  	s3 =	sadd.s32 s3, s9;
	s6 =	sadd.s32 @!p0 $0x88, s6;
	s7 =	simm.s32 @p2 $0x1082  }
0x22: {  	[simem:s7], [sflag:s8] =	dma.local @!p0 [hbm:s6], $0xF7A  }
0x23: {  	s9 =	sor.u32 $0xD0000000, s2;
	s6 =	simm.s32 $0x108;
	_ =	swait.ge @!p0 [sflag:s8], $0x0  }
0x24: {  	s3 =	sadd.s32 $0x88, s3;
	s6 =	simm.s32 @!p1 $0x1082;
	[sflag:s4] =	ssyncset.s32 $0xFFFFF086  }
0x25: {  	[simem:s6], [sflag:s4] =	dma.local [hbm:s3], $0xF7A  }
0x26: {  	[smem:$0x3F9F] =	sst s1;
	(tag) =	ssettag s2;
	_ =	strace s9  }
0x27: {  	s1 =	sld [smem:$0x3FAF]  }
0x28: {  	s2 =	sld [smem:$0x3FB0]  }
0x29: {  	s4 =	sld [smem:$0x3FB2]  }
0x2a: {  	p0 =	seq.s32 s5, $0x0;
	s5 =	sld [smem:$0x3FB3]  }
0x2b: {  	s6 =	sld [smem:$0x3FB4]  }
0x2c: {  	s7 =	sld [smem:$0x3FB5]  }
0x2d: {  	s3 =	simm.s32 $0x108;
	s8 =	sld [smem:$0x3FB6]  }
0x2e: {  	s3 =	simm.s32 @!p0 $0x1082;
	s9 =	sld [smem:$0x3FB7]  }
0x2f: {  	lr =	sadd.s32 s0, s3;
	s0 =	sld [smem:$0x3FAE]  }
0x30: {  	s3 =	sld [smem:$0x3FB1]  }
0x31: {  	[smem:$0x3FBA] =	sst s10  }
0x32: {  	s10 =	sld [smem:$0x3FB8];
	_ =	sdelay $0x3  }
0x33: {  	p0 =	seq.s32 s10, $0x1;
	s10 =	sld [smem:$0x3FBA];
	_ =	sdelay $0x3  }
0x34: {  	[smem:$0x3FBA] =	sst s10  }
0x35: {  	s10 =	sld [smem:$0x3FB9];
	_ =	sdelay $0x3  }
0x36: {  	p1 =	seq.s32 s10, $0x1;
	s10 =	sld [smem:$0x3FBA];
	_ =	sdelay $0x3  }
0x37: {  	[smem:$0x3FBA] =	sst s10  }
0x38: {  	s10 =	sld [smem:$0x3FBB]  }
0x39: {  	_ = 	snop;
	(pc) =	sbr.ind lr, $3  }
0x3a: {  	_ = 	snop  }
0x3b: {  	_ = 	snop  }
0x3c: {  	p2 =	seq.s32 s10, $0x1;
	s10 =	sld [smem:$0x3FBA]  }
0x3d: {  	_ =	shalt  }
0x3e: {  	_ =	shalt  }
0x3f: {  	_ =	shalt  }
0x40: {  	_ =	shalt  }
0x41: {  	_ =	shalt  }
0x42: {  	_ =	shalt  }
0x43: {  	_ =	shalt  }
0x44: {  	_ =	shalt  }
0x45: {  	_ =	shalt  }
0x46: {  	_ =	shalt  }
0x47: {  	_ =	shalt  }
0x48: {  	_ =	shalt  }
0x49: {  	_ =	shalt  }
0x4a: {  	_ =	shalt  }
0x4b: {  	_ =	shalt  }
0x4c: {  	_ =	shalt  }
0x4d: {  	_ =	shalt  }
0x4e: {  	_ =	shalt  }
0x4f: {  	_ =	shalt  }
0x50: {  	_ =	shalt  }
0x51: {  	_ =	shalt  }
0x52: {  	_ =	shalt  }
0x53: {  	_ =	shalt  }
0x54: {  	_ =	shalt  }
0x55: {  	_ =	shalt  }
0x56: {  	_ =	shalt  }
0x57: {  	_ =	shalt  }
0x58: {  	_ =	shalt  }
0x59: {  	_ =	shalt  }
0x5a: {  	_ =	shalt  }
0x5b: {  	_ =	shalt  }
0x5c: {  	_ =	shalt  }
0x5d: {  	_ =	shalt  }
0x5e: {  	_ =	shalt  }
0x5f: {  	_ =	shalt  }
0x60: {  	_ =	shalt  }
0x61: {  	_ =	shalt  }
0x62: {  	_ =	shalt  }
0x63: {  	_ =	shalt  }
0x64: {  	_ =	shalt  }
0x65: {  	_ =	shalt  }
0x66: {  	_ =	shalt  }
0x67: {  	_ =	shalt  }
0x68: {  	_ =	shalt  }
0x69: {  	_ =	shalt  }
0x6a: {  	_ =	shalt  }
0x6b: {  	_ =	shalt  }
0x6c: {  	_ =	shalt  }
0x6d: {  	_ =	shalt  }
0x6e: {  	_ =	shalt  }
0x6f: {  	_ =	shalt  }
0x70: {  	_ =	shalt  }
0x71: {  	_ =	shalt  }
0x72: {  	_ =	shalt  }
0x73: {  	_ =	shalt  }
0x74: {  	_ =	shalt  }
0x75: {  	_ =	shalt  }
0x76: {  	_ =	shalt  }
0x77: {  	_ =	shalt  }
0x78: {  	_ =	shalt  }
0x79: {  	_ =	shalt  }
0x7a: {  	_ =	shalt  }
0x7b: {  	_ =	shalt  }
0x7c: {  	_ =	shalt  }
0x7d: {  	_ =	shalt  }
0x7e: {  	_ =	shalt  }
0x7f: {  	_ =	shalt  }
0x80: {  	_ =	shalt  }
0x81: {  	_ =	shalt  }
0x82: {  	_ =	shalt  }
0x83: {  	_ =	shalt  }
0x84: {  	_ =	shalt  }
0x85: {  	_ =	shalt  }
0x86: {  	_ =	shalt  }
0x87: {  	_ =	shalt  }
.Lfunc_end0:
.L_simem_size_0:
called_computation_lowered:
.L_overlay_start_0:
0x88: {  	s2 =	sld [smem:$0x3FD9]  }
0x89: {  	s3 =	sld [smem:$0x3FFE];
	_ =	sdelay $0x1  }
0x8a: {  	s1 =	srdreg.scid  }
0x8b: {  	s0 =	sand.u32 $0x1, s1  }
0x8c: {  	s17 =	sshll.u32 s0, $0xA;
	s2 =	sadd.s32 s3, s2  }
0x8d: {  	s2 =	sadd.s32 s2, s17  }
0x8e: {  	[smem:$0x3FC6] =	sst s2  }
0x8f: {  	_ = 	snop  }
0x90: {  	s2 =	sld [smem:$0x3FD0];
	(tm) =	ssettm $0x1  }
0x91: {  	s18 =	sld [smem:$0x3FFB];
	_ =	sdelay $0x3  }
0x92: {  	_ =	strace s18  }
0x93: {  	s3 =	sld [smem:$0x3FFC];
	_ =	sdelay $0x3  }
0x94: {  	_ =	strace s3  }
0x95: {  	s3 =	sld [smem:$0x3FFD];
	_ =	sdelay $0x3  }
0x96: {  	_ =	strace s3  }
0x97: {  	_ =	strace $0x8FFFFFFF  }
0x98: {  	s19 =	sld [smem:$0x3FDB];
	_ =	sdelay $0x1  }
0x99: {  	s4 =	simm.s32 $_scs_section_size  }
0x9a: {  	s5 =	simm.s32 $_size__tile_overlayer_lowered;
	s6 =	simm.s32 $_tile_overlayer_lowered  }
0x9b: {  	s22 =	simm.s32 $0x1BFF;
	s21 =	sshll.u32 s6, $0x1;
	s3 =	sadd.s32 s4, s19  }
0x9c: {  	s7 =	simm.s32 $0x0;
	s20 =	sshll.u32 s5, $0x1;
	s5 =	sadd.s32 s21, s3  }
0x9d: {  	[timem:s7], [sflag:s22] =	dma.local [hbm:s5], s20  }
0x9e: {  	_ =	swait.ge [sflag:s22], s20  }
0x9f: {  	s4 =	ssub.s32 $0x0, s20;
	[sflag:s22] =	ssyncset.done $0x0  }
0xa0: {  	[sflag:s22] =	ssyncadd.s32 s4;
	_ =	sdelay $0x1  }
0xa1: {  	s23 =	simm.s32 $0x1B8B  }
0xa2: {  	_ =	swait.ge [sflag:s23], $0x1  }
0xa3: {  	[sflag:s23] =	ssyncset.done $0x0  }
0xa4: {  	s25 =	simm.s32 $0x1B8E;
	s24 =	sld [smem:$0x3FFE];
	[sflag:s23] =	ssyncadd.s32 $0xFFFFFFFF  }
0xa5: {  	s26 =	simm.s32 $execute0_lowered;
	[smem:$0x3FD2] =	sst s25  }
0xa6: {  	s5 =	sshll.u32 s26, $0x1;
	_ =	strace $0x80000046;
	[dreg:$0x1] =	wrdreg $0xFFFFFFFF  }
0xa7: {  	s28 =	simm.s32 $_size_execute0_lowered;
	s3 =	sadd.s32 s3, s5;
	[dreg:$0x0] =	wrdreg $0x0  }
0xa8: {  	s5 =	sshll.u32 s28, $0x1;
	[dreg:$0x2] =	wrdreg s3  }
0xa9: {  	[dreg:$0x3] =	wrdreg s5  }
0xaa: {  	[dreg:$0x4] =	wrdreg $0xC0  }
0xab: {  	_ =	task [dreg:s7], $0x5FFFF  }
0xac: {  	[dreg:$0x1] =	wrdreg $0xFFFFFFFF  }
0xad: {  	[dreg:$0x0] =	wrdreg $0x60  }
0xae: {  	[dreg:$0x2] =	wrdreg s24  }
0xaf: {  	[dreg:$0x3] =	wrdreg s2  }
0xb0: {  	[dreg:$0x4] =	wrdreg $0x9  }
0xb1: {  	_ =	task.clear_ibuf [dreg:s7], $0x5FFFF;
	_ =	strace $0x90000046  }
0xb2: {  	s29 =	simm.s32 $0x9;
	_ =	strace $0x80000048  }
0xb3: {  	_ =	swait.ge [sflag:s29], $0x1  }
0xb4: {  	[sflag:s29] =	ssyncadd.s32 $0xFFFFFFFF  }
0xb5: {  	_ =	strace $0x90000048  }
0xb6: {  	_ =	sfence  }
0xb7: {  	s30 =	sld [smem:$0x0];
	_ =	sdelay $0x2  }
0xb8: {  	s31 =	sshll.u32 s1, $0xD;
	s1 =	sshrl.u32 s1, $0x2  }
0xb9: {  	s3 =	sand.u32 $0x4000, s31;
	s1 =	sadd.s32 s1, s30  }
0xba: {  	s0 =	sor.u32 s3, s0;
	s1 =	sshll.u32 s1, $0x11  }
0xbb: {  	s0 =	sor.u32 s1, s0  }
0xbc: {  	s0 =	sadd.s32 $0x8F2B, s0  }
0xbd: {  	[sflag:s0] =	ssyncadd.remote.s32 $0x1  }
0xbe: {  	_ =	sfence.sel $0xFFFF  }
0xbf: {  	[dreg:$0x0] =	wrdreg $0xFFFFFFFF;
	(pc) =	sbr.abs _section_cstart, $3  }
0xc0: {  	[dreg:$0x1] =	wrdreg $0xFFFFFFFF  }
0xc1: {  	_ =	task.clear_ibuf [dreg:s7], $0x2FFFF;
	_ =	strace $0x9FFFFFFF  }
0xc2: {  	(tm) =	ssettm $0x7FFFFFFF  }
0xc3: {  	_ =	shalt  }
tec
execute0_lowered:
.L_overlay_start_1:
0x0: {  	(tag) =	ssettag $0x1  }
0x1: {  	s4 =	rddreg [dreg:$0x0];
	s1 =	srdreg.scid  }
0x2: {  	s0 =	stileid.u32;
	s8 =	rddreg [dreg:$0x1]  }
0x3: {  	s2 =	simm.s32 $0x0;
	s10 =	simm.s32 $0x80;
	s11 =	simm.s32 $0x6400  }
0x4: {  	s12 =	simm.s32 $0x8400;
	s13 =	simm.s32 $0x100;
	s14 =	simm.s32 $0xA400  }
0x5: {  	s15 =	simm.s32 $0x180;
	s16 =	simm.s32 $0xC400;
	s17 =	simm.s32 $0x1  }
0x6: {  	s18 =	simm.s32 $0x40;
	s19 =	simm.s32 $0x3;
	s20 =	simm.s32 $0x4  }
0x7: {  	s21 =	simm.s32 $0x5;
	s22 =	simm.s32 $0x6;
	s23 =	simm.s32 $0x7  }
0x8: {  	s24 =	simm.s32 $0x8;
	s25 =	simm.s32 $0x0;
	s5 =	sand.u32 $0x1, s1  }
0x9: {  	s3 =	sshll.u32 s0, $0x1;
	[smem:$0x7FF] =	sst s2;
	s30 =	sshll.u32 s0, $0x11  }
0xa: {  	s6 =	sor.u32 s5, s3;
	s9 =	ssub.s32 $0x2, s5;
	s3 =	sadd.s32 $0x19800, s4  }
0xb: {  	s5 =	sshll.u32 s5, $0x10;
	s7 =	smul.u32 $0xC80, s6;
	s6 =	sshll.u32 s6, $0xD  }
.Ltmp0:
0xc: {  	s29 =	sshrl.u32 s9, $0x1;
	s31 =	sadd.s32 s6, s8;
	(pc) =	sbr.rel .LBB2_1-.Ltmp0, $4  }
0xd: {  	s4 =	sadd.s32 s7, s4;
	s7 =	ssub.s32 s9, s29;
	s9 =	sor.u32 s5, s30  }
0xe: {  	_ =	strace $0x80000047;
	s6 =	sadd.s32 $0xC40800, s31;
	s9 =	sshrl.u32 s9, $0x3  }
0xf: {  	s4 =	sadd.s32 $0x800, s4;
	s5 =	smax.u32 s7, $0x1;
	s8 =	sadd.s32 s9, s8  }
0x10: {  	s7 =	sadd.s32 $0xC41800, s31;
	s9 =	simm.s32 $0x9;
	s8 =	sadd.s32 $0x1800, s8  }
.LBB2_3:
0x11: {  	_ =	swait.ge [sflag:s20], $0x2000  }
0x12: {  	[sflag:s20] =	ssyncset.done $0x0  }
0x13: {  	[sflag:s20] =	ssyncadd.s32 $0xFFFFE000  }
0x14: {  	[hbm4b:s7+s18] =	stream.strided.scatter [tilespmem:s16], [sflag:$0x8], $0x2000, s10, s18, $0x38;
	[tilespmem:$0xE400] =	vst v63  }
.LBB2_5:
0x15: {  	_ =	swait.ge [sflag:s21], $0x2000  }
0x16: {  	[sflag:s21] =	ssyncset.done $0x0  }
0x17: {  	[sflag:s21] =	ssyncadd.s32 $0xFFFFE000  }
0x18: {  	_ =	swait.ge [sflag:s22], $0x2000  }
0x19: {  	[sflag:s22] =	ssyncset.done $0x0  }
0x1a: {  	s25 =	sadd.s32 $0x1, s25;
	[sflag:s22] =	ssyncadd.s32 $0xFFFFE000  }
0x1b: {  	p0 =	sne.s32 s25, s5;
	_ =	swait.ge [sflag:s23], $0x2000  }
.Ltmp1:
0x1c: {  	[sflag:s23] =	ssyncset.done $0x0;
	(pc) =	sbr.rel @!p0 .LBB2_6-.Ltmp1, $4  }
0x1d: {  	[sflag:s23] =	ssyncadd.s32 $0xFFFFE000  }
0x1e: {  	_ =	swait.ge [sflag:s24], $0x2000  }
0x1f: {  	[sflag:s24] =	ssyncset.done $0x0  }
0x20: {  	[sflag:s24] =	ssyncadd.s32 $0xFFFFE000  }
.LBB2_1:
0x21: {  	[tilespmem:s2], [sflag:$0x9] =	stream.linear.gather [hbm4b:s4+s2], $0x6400, $0x38;
	[tilespmem:$0xE400] =	vst v63  }
0x22: {  	_ =	swait.ge [sflag:s9], $0x6400  }
0x23: {  	[sflag:s9] =	ssyncset.done $0x0  }
0x24: {  	[sflag:s9] =	ssyncadd.s32 $0xFFFF9C00  }
0x25: {  	[tilespmem:s11], [sflag:$0x1] =	stream.indirect.gather [hbm4b:s3+s10], $0x40, s2, s10, $0xb8;
	[tilespmem:$0xE400] =	vst v63  }
0x26: {  	_ = 	snop  }
0x27: {  	[tilespmem:s12], [sflag:$0x2] =	stream.indirect.gather [hbm4b:s3+s10], $0x40, s10, s10, $0xb8;
	[tilespmem:$0xE400] =	vst v63  }
0x28: {  	_ = 	snop  }
0x29: {  	[tilespmem:s14], [sflag:$0x3] =	stream.indirect.gather [hbm4b:s3+s10], $0x40, s13, s10, $0xb8;
	[tilespmem:$0xE400] =	vst v63  }
0x2a: {  	s26 =	smov.u32 s8;
	s28 =	simm.s32 $0x0  }
0x2b: {  	[tilespmem:s16], [sflag:$0x4] =	stream.indirect.gather [hbm4b:s3+s10], $0x40, s15, s10, $0xb8;
	[tilespmem:$0xE400] =	vst v63  }
.LBB2_2:
0x2c: {  	_ =	swait.ge [sflag:s17], $0x2000  }
0x2d: {  	[sflag:s17] =	ssyncset.done $0x0  }
0x2e: {  	s29 =	sadd.s32 $0xFFFFE800, s26;
	p0 =	seq.s32 s28, $0x18800;
	[sflag:s17] =	ssyncadd.s32 $0xFFFFE000  }
0x2f: {  	[hbm4b:s29+s18] =	stream.strided.scatter [tilespmem:s11], [sflag:$0x5], $0x2000, s10, s18, $0x38;
	[tilespmem:$0xE400] =	vst v63  }
0x30: {  	s29 =	simm.s32 @p0 $0x2  }
0x31: {  	_ =	swait.ge @p0 [sflag:s29], $0x2000  }
0x32: {  	s30 =	simm.s32 @p0 $0x80;
	[sflag:s29] =	ssyncset.done @p0 $0x0  }
0x33: {  	s31 =	simm.s32 @p0 $0x8400;
	[sflag:s29] =	ssyncadd.s32 @p0 $0xFFFFE000;
	s29 =	simm.s32 @p0 $0x40  }
0x34: {  	[hbm4b:s6+s29] =	stream.strided.scatter @p0 [tilespmem:s31], [sflag:$0x6], $0x2000, s30, s29, $0x38;
	[tilespmem:$0xE400] =	vst v63  }
0x35: {  	s29 =	simm.s32 @!p0 $0x5  }
0x36: {  	_ =	swait.ge @!p0 [sflag:s29], $0x2000  }
0x37: {  	[sflag:s29] =	ssyncset.done @!p0 $0x0  }
0x38: {  	[sflag:s29] =	ssyncadd.s32 @!p0 $0xFFFFE000;
	s29 =	sshra.s32 @!p0 s28, $0x2  }
0x39: {  	s1 =	simm.s32 @!p0 $0x6400;
	s31 =	simm.s32 @!p0 $0x80;
	s30 =	sadd.s32 @!p0 $0x200, s29  }
0x3a: {  	[tilespmem:s1], [sflag:$0x1] =	stream.indirect.gather @!p0 [hbm4b:s3+s31], $0x40, s30, s31, $0xb8;
	[tilespmem:$0xE400] =	vst v63  }
0x3b: {  	s1 =	simm.s32 @!p0 $0x2  }
0x3c: {  	_ =	swait.ge @!p0 [sflag:s1], $0x2000  }
0x3d: {  	s0 =	simm.s32 @!p0 $0x8400;
	[sflag:s1] =	ssyncset.done @!p0 $0x0  }
0x3e: {  	s30 =	simm.s32 @!p0 $0x40;
	[sflag:s1] =	ssyncadd.s32 @!p0 $0xFFFFE000;
	s1 =	sadd.s32 @!p0 $0xFFFFF000, s26  }
0x3f: {  	[hbm4b:s1+s30] =	stream.strided.scatter @!p0 [tilespmem:s0], [sflag:$0x6], $0x2000, s31, s30, $0x38;
	[tilespmem:$0xE400] =	vst v63  }
0x40: {  	s1 =	simm.s32 @!p0 $0x6  }
0x41: {  	_ =	swait.ge @!p0 [sflag:s1], $0x2000  }
0x42: {  	[sflag:s1] =	ssyncset.done @!p0 $0x0  }
0x43: {  	[sflag:s1] =	ssyncadd.s32 @!p0 $0xFFFFE000;
	s1 =	sadd.s32 @!p0 $0x280, s29  }
0x44: {  	[tilespmem:s0], [sflag:$0x2] =	stream.indirect.gather @!p0 [hbm4b:s3+s31], $0x40, s1, s31, $0xb8;
	[tilespmem:$0xE400] =	vst v63  }
0x45: {  	p0 =	sne.s32 s28, $0x18800  }
.Ltmp2:
0x46: {  	_ = 	snop;
	(pc) =	sbr.rel @!p0 .LBB2_3-.Ltmp2, $4  }
0x47: {  	_ =	swait.ge [sflag:s19], $0x2000  }
0x48: {  	[sflag:s19] =	ssyncset.done $0x0  }
0x49: {  	s31 =	sadd.s32 $0xFFFFF800, s26;
	[sflag:s19] =	ssyncadd.s32 $0xFFFFE000  }
0x4a: {  	[hbm4b:s31+s18] =	stream.strided.scatter [tilespmem:s14], [sflag:$0x7], $0x2000, s10, s18, $0x38;
	[tilespmem:$0xE400] =	vst v63  }
0x4b: {  	_ =	swait.ge [sflag:s23], $0x2000  }
0x4c: {  	s0 =	sshra.s32 s28, $0x2;
	[sflag:s23] =	ssyncset.done $0x0  }
0x4d: {  	s1 =	sadd.s32 $0x300, s0;
	[sflag:s23] =	ssyncadd.s32 $0xFFFFE000  }
0x4e: {  	[tilespmem:s14], [sflag:$0x3] =	stream.indirect.gather [hbm4b:s3+s10], $0x40, s1, s10, $0xb8;
	[tilespmem:$0xE400] =	vst v63  }
0x4f: {  	_ =	swait.ge [sflag:s20], $0x2000  }
0x50: {  	s28 =	sadd.s32 $0x800, s28;
	[sflag:s20] =	ssyncset.done $0x0  }
0x51: {  	p0 =	sne.s32 s28, $0x19000;
	[sflag:s20] =	ssyncadd.s32 $0xFFFFE000  }
0x52: {  	[hbm4b:s26+s18] =	stream.strided.scatter [tilespmem:s16], [sflag:$0x8], $0x2000, s10, s18, $0x38;
	[tilespmem:$0xE400] =	vst v63  }
.Ltmp3:
0x53: {  	_ = 	snop;
	(pc) =	sbr.rel @p0 .LBB2_2-.Ltmp3, $4  }
.Ltmp4:
0x54: {  	_ =	swait.ge [sflag:s24], $0x2000;
	(pc) =	sbr.rel @!p0 .LBB2_5-.Ltmp4, $4  }
0x55: {  	[sflag:s24] =	ssyncset.done $0x0  }
0x56: {  	s0 =	sadd.s32 $0x380, s0;
	s26 =	sadd.s32 $0x40000, s26;
	[sflag:s24] =	ssyncadd.s32 $0xFFFFE000  }
0x57: {  	[tilespmem:s16], [sflag:$0x4] =	stream.indirect.gather [hbm4b:s3+s10], $0x40, s0, s10, $0xb8;
	[tilespmem:$0xE400] =	vst v63  }
0x58: {  	_ = 	snop  }
.LBB2_6:
0x59: {  	_ =	sfence.sel $0x180000  }
0x5a: {  	[bflag:$0x0] =	sbarrier.arrive $0xFFFF  }
0x5b: {  	_ =	strace $0x90000047  }
0x5c: {  	s0 =	stileid.u32;
	[bflag:$0x2] =	sbarrier.arrive $0xFFFF  }
0x5d: {  	p0 =	sne.s32 s0, $0x0;
	s0 =	rddreg [dreg:$0x2]  }
0x5e: {  	s0 =	sadd.s32 @!p0 $0x100000, s0  }
0x5f: {  	[sflag:s0] =	ssyncadd.tile.s32 @!p0 $0x1;
	_ =	shalt  }
.Lfunc_end2:
_tile_overlayer_lowered:
.L_overlay_start_2:
0x60: {  	(tag) =	ssettag $0x2  }
0x61: {  	s0 =	rddreg [dreg:$0x0];
	s2 =	stileid.u32  }
0x62: {  	s1 =	rddreg [dreg:$0x1];
	p0 =	sne.s32 s2, $0x0  }
0x63: {  	s3 =	rddreg [dreg:$0x2];
	[bflag:$0x3] =	sbarrier.arrive $0xFFFF;
	s2 =	simm.s32 @!p0 $0x1C09  }
0x64: {  	[timem:s3], [sflag:s2] =	dma.local @!p0 [hbm:s0], s1  }
0x65: {  	s0 =	simm.s32 @!p0 $0x9  }
0x66: {  	_ =	swait.ge @!p0 [sflag:s0], s1  }
0x67: {  	s1 =	ssub.s32 @!p0 $0x0, s1;
	[sflag:s0] =	ssyncset.done @!p0 $0x0  }
0x68: {  	[sflag:s0] =	ssyncadd.s32 @!p0 s1  }
0x69: {  	[bflag:$0x3] =	sbarrier.arrive $0xFFFF  }
0x6a: {  	_ =	shalt  }

// kernel: kernel.9.cloned.1.call-start
scs
__scs_entry_jumppad:
0x0: {  	(pc) =	sbr.rel $0x88, $3  }
0x1: {  	(tag) =	ssettag $0x0;
	lr =	simm.s32 $0x1  }
0x2: {  	[smem:$0x3F9F] =	sst lr;
	_ =	strace $0xD0000000  }
0x3: {  	_ = 	snop  }
0x4: {  	_ = 	snop  }
0x5: {  	_ = 	snop  }
0x6: {  	_ = 	snop  }
0x7: {  	_ = 	snop  }
__scs_overlays_trampoline_lowered:
0x8: {  	[smem:$0x3FAE] =	sst s0  }
0x9: {  	[smem:$0x3FAF] =	sst s1  }
0xa: {  	[smem:$0x3FB0] =	sst s2  }
0xb: {  	[smem:$0x3FB1] =	sst s3  }
0xc: {  	[smem:$0x3FB2] =	sst s4  }
0xd: {  	[smem:$0x3FB3] =	sst s5  }
0xe: {  	[smem:$0x3FB4] =	sst s6  }
0xf: {  	[smem:$0x3FB5] =	sst s7  }
0x10: {  	[smem:$0x3FB6] =	sst s8  }
0x11: {  	[smem:$0x3FB7] =	sst s9;
	s0 =	simm.s32 @!p0 $0x0  }
0x12: {  	s1 =	sld [smem:$0x3F9D];
	s0 =	simm.s32 @p0 $0x1  }
0x13: {  	[smem:$0x3FB8] =	sst s0;
	s0 =	simm.s32 @!p1 $0x0  }
0x14: {  	s2 =	sld [smem:$0x3F9C];
	s0 =	simm.s32 @p1 $0x1  }
0x15: {  	[smem:$0x3FB9] =	sst s0;
	s0 =	simm.s32 @!p2 $0x0  }
0x16: {  	s3 =	sld [smem:$0x3FDB];
	s0 =	simm.s32 @p2 $0x1  }
0x17: {  	s4 =	simm.s32 $0x1BF5;
	[smem:$0x3FBB] =	sst s0  }
0x18: {  	s0 =	sld [smem:$0x3F9E];
	_ =	swait.ge [sflag:s4], $0x0  }
0x19: {  	s7 =	sld [smem:$0x3F9F]  }
0x1a: {  	s8 =	sadd.s32 $0xFFFFE003, lr  }
0x1b: {  	s9 =	sadd.s32 $0xFFFFFEF7, lr;
	s5 =	simm.s32 $0xFFFFFFFF;
	p2 =	slt.u32 s8, $0xFFFFF086  }
0x1c: {  	p1 =	slt.u32 s9, $0xF7A;
	s5 =	simm.s32 @!p2 $0x0  }
0x1d: {  	s5 =	simm.s32 @p1 $0x1;
	p0 =	seq.s32 s7, s2  }
0x1e: {  	s7 =	smul.u32 @!p0 $0xF7A, s2;
	p2 =	seq.s32 @!p0 s5, $0x0  }
0x1f: {  	s9 =	smul.u32 $0xF7A, s1;
	s8 =	simm.s32 @!p0 $0x1BF5;
	p2 =	por !p2, p0  }
0x20: {  	[sflag:s8] =	ssyncset.s32 @!p0 $0xFFFFF086;
	s6 =	sadd.s32 @!p0 s3, s7;
	s7 =	simm.s32 @!p0 $0x108  }
0x21: {  	s3 =	sadd.s32 s3, s9;
	s6 =	sadd.s32 @!p0 $0x88, s6;
	s7 =	simm.s32 @p2 $0x1082  }
0x22: {  	[simem:s7], [sflag:s8] =	dma.local @!p0 [hbm:s6], $0xF7A  }
0x23: {  	s9 =	sor.u32 $0xD0000000, s2;
	s6 =	simm.s32 $0x108;
	_ =	swait.ge @!p0 [sflag:s8], $0x0  }
0x24: {  	s3 =	sadd.s32 $0x88, s3;
	s6 =	simm.s32 @!p1 $0x1082;
	[sflag:s4] =	ssyncset.s32 $0xFFFFF086  }
0x25: {  	[simem:s6], [sflag:s4] =	dma.local [hbm:s3], $0xF7A  }
0x26: {  	[smem:$0x3F9F] =	sst s1;
	(tag) =	ssettag s2;
	_ =	strace s9  }
0x27: {  	s1 =	sld [smem:$0x3FAF]  }
0x28: {  	s2 =	sld [smem:$0x3FB0]  }
0x29: {  	s4 =	sld [smem:$0x3FB2]  }
0x2a: {  	p0 =	seq.s32 s5, $0x0;
	s5 =	sld [smem:$0x3FB3]  }
0x2b: {  	s6 =	sld [smem:$0x3FB4]  }
0x2c: {  	s7 =	sld [smem:$0x3FB5]  }
0x2d: {  	s3 =	simm.s32 $0x108;
	s8 =	sld [smem:$0x3FB6]  }
0x2e: {  	s3 =	simm.s32 @!p0 $0x1082;
	s9 =	sld [smem:$0x3FB7]  }
0x2f: {  	lr =	sadd.s32 s0, s3;
	s0 =	sld [smem:$0x3FAE]  }
0x30: {  	s3 =	sld [smem:$0x3FB1]  }
0x31: {  	[smem:$0x3FBA] =	sst s10  }
0x32: {  	s10 =	sld [smem:$0x3FB8];
	_ =	sdelay $0x3  }
0x33: {  	p0 =	seq.s32 s10, $0x1;
	s10 =	sld [smem:$0x3FBA];
	_ =	sdelay $0x3  }
0x34: {  	[smem:$0x3FBA] =	sst s10  }
0x35: {  	s10 =	sld [smem:$0x3FB9];
	_ =	sdelay $0x3  }
0x36: {  	p1 =	seq.s32 s10, $0x1;
	s10 =	sld [smem:$0x3FBA];
	_ =	sdelay $0x3  }
0x37: {  	[smem:$0x3FBA] =	sst s10  }
0x38: {  	s10 =	sld [smem:$0x3FBB]  }
0x39: {  	_ = 	snop;
	(pc) =	sbr.ind lr, $3  }
0x3a: {  	_ = 	snop  }
0x3b: {  	_ = 	snop  }
0x3c: {  	p2 =	seq.s32 s10, $0x1;
	s10 =	sld [smem:$0x3FBA]  }
0x3d: {  	_ =	shalt  }
0x3e: {  	_ =	shalt  }
0x3f: {  	_ =	shalt  }
0x40: {  	_ =	shalt  }
0x41: {  	_ =	shalt  }
0x42: {  	_ =	shalt  }
0x43: {  	_ =	shalt  }
0x44: {  	_ =	shalt  }
0x45: {  	_ =	shalt  }
0x46: {  	_ =	shalt  }
0x47: {  	_ =	shalt  }
0x48: {  	_ =	shalt  }
0x49: {  	_ =	shalt  }
0x4a: {  	_ =	shalt  }
0x4b: {  	_ =	shalt  }
0x4c: {  	_ =	shalt  }
0x4d: {  	_ =	shalt  }
0x4e: {  	_ =	shalt  }
0x4f: {  	_ =	shalt  }
0x50: {  	_ =	shalt  }
0x51: {  	_ =	shalt  }
0x52: {  	_ =	shalt  }
0x53: {  	_ =	shalt  }
0x54: {  	_ =	shalt  }
0x55: {  	_ =	shalt  }
0x56: {  	_ =	shalt  }
0x57: {  	_ =	shalt  }
0x58: {  	_ =	shalt  }
0x59: {  	_ =	shalt  }
0x5a: {  	_ =	shalt  }
0x5b: {  	_ =	shalt  }
0x5c: {  	_ =	shalt  }
0x5d: {  	_ =	shalt  }
0x5e: {  	_ =	shalt  }
0x5f: {  	_ =	shalt  }
0x60: {  	_ =	shalt  }
0x61: {  	_ =	shalt  }
0x62: {  	_ =	shalt  }
0x63: {  	_ =	shalt  }
0x64: {  	_ =	shalt  }
0x65: {  	_ =	shalt  }
0x66: {  	_ =	shalt  }
0x67: {  	_ =	shalt  }
0x68: {  	_ =	shalt  }
0x69: {  	_ =	shalt  }
0x6a: {  	_ =	shalt  }
0x6b: {  	_ =	shalt  }
0x6c: {  	_ =	shalt  }
0x6d: {  	_ =	shalt  }
0x6e: {  	_ =	shalt  }
0x6f: {  	_ =	shalt  }
0x70: {  	_ =	shalt  }
0x71: {  	_ =	shalt  }
0x72: {  	_ =	shalt  }
0x73: {  	_ =	shalt  }
0x74: {  	_ =	shalt  }
0x75: {  	_ =	shalt  }
0x76: {  	_ =	shalt  }
0x77: {  	_ =	shalt  }
0x78: {  	_ =	shalt  }
0x79: {  	_ =	shalt  }
0x7a: {  	_ =	shalt  }
0x7b: {  	_ =	shalt  }
0x7c: {  	_ =	shalt  }
0x7d: {  	_ =	shalt  }
0x7e: {  	_ =	shalt  }
0x7f: {  	_ =	shalt  }
0x80: {  	_ =	shalt  }
0x81: {  	_ =	shalt  }
0x82: {  	_ =	shalt  }
0x83: {  	_ =	shalt  }
0x84: {  	_ =	shalt  }
0x85: {  	_ =	shalt  }
0x86: {  	_ =	shalt  }
0x87: {  	_ =	shalt  }
.Lfunc_end0:
.L_simem_size_0:
called_computation.1_lowered:
.L_overlay_start_0:
0x88: {  	s2 =	sld [smem:$0x3FD9]  }
0x89: {  	s3 =	sld [smem:$0x3FFE];
	_ =	sdelay $0x1  }
0x8a: {  	s1 =	srdreg.scid  }
0x8b: {  	s0 =	sand.u32 $0x1, s1  }
0x8c: {  	s17 =	sshll.u32 s0, $0xA;
	s2 =	sadd.s32 s3, s2  }
0x8d: {  	s2 =	sadd.s32 s2, s17  }
0x8e: {  	[smem:$0x3FC6] =	sst s2  }
0x8f: {  	_ = 	snop  }
0x90: {  	s2 =	sld [smem:$0x3FD0];
	(tm) =	ssettm $0x1  }
0x91: {  	s18 =	sld [smem:$0x3FFB];
	_ =	sdelay $0x3  }
0x92: {  	_ =	strace s18  }
0x93: {  	s3 =	sld [smem:$0x3FFC];
	_ =	sdelay $0x3  }
0x94: {  	_ =	strace s3  }
0x95: {  	s3 =	sld [smem:$0x3FFD];
	_ =	sdelay $0x3  }
0x96: {  	_ =	strace s3  }
0x97: {  	_ =	strace $0x8FFFFFFF  }
0x98: {  	s19 =	sld [smem:$0x3FDB];
	_ =	sdelay $0x1  }
0x99: {  	s4 =	simm.s32 $_scs_section_size  }
0x9a: {  	s5 =	simm.s32 $_size__tile_overlayer_lowered;
	s6 =	simm.s32 $_tile_overlayer_lowered  }
0x9b: {  	s22 =	simm.s32 $0x1BFF;
	s21 =	sshll.u32 s6, $0x1;
	s3 =	sadd.s32 s4, s19  }
0x9c: {  	s7 =	simm.s32 $0x0;
	s20 =	sshll.u32 s5, $0x1;
	s5 =	sadd.s32 s21, s3  }
0x9d: {  	[timem:s7], [sflag:s22] =	dma.local [hbm:s5], s20  }
0x9e: {  	_ =	swait.ge [sflag:s22], s20  }
0x9f: {  	s4 =	ssub.s32 $0x0, s20;
	[sflag:s22] =	ssyncset.done $0x0  }
0xa0: {  	[sflag:s22] =	ssyncadd.s32 s4;
	_ =	sdelay $0x1  }
0xa1: {  	s23 =	simm.s32 $0x1B8B  }
0xa2: {  	_ =	swait.ge [sflag:s23], $0x1  }
0xa3: {  	[sflag:s23] =	ssyncset.done $0x0  }
0xa4: {  	s25 =	simm.s32 $0x1B8E;
	s24 =	sld [smem:$0x3FFE];
	[sflag:s23] =	ssyncadd.s32 $0xFFFFFFFF  }
0xa5: {  	s26 =	simm.s32 $execute0_lowered;
	[smem:$0x3FD2] =	sst s25  }
0xa6: {  	s5 =	sshll.u32 s26, $0x1;
	_ =	strace $0x80000049;
	[dreg:$0x1] =	wrdreg $0xFFFFFFFF  }
0xa7: {  	s28 =	simm.s32 $_size_execute0_lowered;
	s3 =	sadd.s32 s3, s5;
	[dreg:$0x0] =	wrdreg $0x0  }
0xa8: {  	s5 =	sshll.u32 s28, $0x1;
	[dreg:$0x2] =	wrdreg s3  }
0xa9: {  	[dreg:$0x3] =	wrdreg s5  }
0xaa: {  	[dreg:$0x4] =	wrdreg $0xC0  }
0xab: {  	_ =	task [dreg:s7], $0x5FFFF  }
0xac: {  	[dreg:$0x1] =	wrdreg $0xFFFFFFFF  }
0xad: {  	[dreg:$0x0] =	wrdreg $0x60  }
0xae: {  	[dreg:$0x2] =	wrdreg s24  }
0xaf: {  	[dreg:$0x3] =	wrdreg s2  }
0xb0: {  	[dreg:$0x4] =	wrdreg $0x9  }
0xb1: {  	_ =	task.clear_ibuf [dreg:s7], $0x5FFFF;
	_ =	strace $0x90000049  }
0xb2: {  	s29 =	simm.s32 $0x9;
	_ =	strace $0x8000004B  }
0xb3: {  	_ =	swait.ge [sflag:s29], $0x1  }
0xb4: {  	[sflag:s29] =	ssyncadd.s32 $0xFFFFFFFF  }
0xb5: {  	_ =	strace $0x9000004B  }
0xb6: {  	_ =	sfence  }
0xb7: {  	s30 =	sld [smem:$0x0];
	_ =	sdelay $0x2  }
0xb8: {  	s31 =	sshll.u32 s1, $0xD;
	s1 =	sshrl.u32 s1, $0x2  }
0xb9: {  	s3 =	sand.u32 $0x4000, s31;
	s1 =	sadd.s32 s1, s30  }
0xba: {  	s0 =	sor.u32 s3, s0;
	s1 =	sshll.u32 s1, $0x11  }
0xbb: {  	s0 =	sor.u32 s1, s0  }
0xbc: {  	s0 =	sadd.s32 $0x8F2B, s0  }
0xbd: {  	[sflag:s0] =	ssyncadd.remote.s32 $0x1  }
0xbe: {  	_ =	sfence.sel $0xFFFF  }
0xbf: {  	[dreg:$0x0] =	wrdreg $0xFFFFFFFF;
	(pc) =	sbr.abs _section_cstart, $3  }
0xc0: {  	[dreg:$0x1] =	wrdreg $0xFFFFFFFF  }
0xc1: {  	_ =	task.clear_ibuf [dreg:s7], $0x2FFFF;
	_ =	strace $0x9FFFFFFF  }
0xc2: {  	(tm) =	ssettm $0x7FFFFFFF  }
0xc3: {  	_ =	shalt  }
tec
execute0_lowered:
.L_overlay_start_1:
0x0: {  	(tag) =	ssettag $0x1  }
0x1: {  	s4 =	rddreg [dreg:$0x0];
	s1 =	srdreg.scid  }
0x2: {  	s0 =	stileid.u32;
	s8 =	rddreg [dreg:$0x1]  }
0x3: {  	s2 =	simm.s32 $0x0;
	s11 =	simm.s32 $0x6400;
	s12 =	simm.s32 $0x8400  }
0x4: {  	s13 =	simm.s32 $0x100;
	s14 =	simm.s32 $0xA400;
	s15 =	simm.s32 $0x180  }
0x5: {  	s16 =	simm.s32 $0xC400;
	s17 =	simm.s32 $0x1;
	s18 =	simm.s32 $0x40  }
0x6: {  	s19 =	simm.s32 $0x3;
	s20 =	simm.s32 $0x4;
	s21 =	simm.s32 $0x5  }
0x7: {  	s22 =	simm.s32 $0x6;
	s23 =	simm.s32 $0x7;
	s24 =	simm.s32 $0x8  }
0x8: {  	s25 =	simm.s32 $0x0;
	s5 =	sand.u32 $0x1, s1;
	s3 =	sshll.u32 s0, $0x1  }
0x9: {  	[smem:$0x7FF] =	sst s2;
	s31 =	sshll.u32 s0, $0x11;
	s6 =	sor.u32 s5, s3  }
0xa: {  	_ =	strace $0x8000004A;
	s9 =	ssub.s32 $0x2, s5;
	s3 =	sadd.s32 $0xDCE00, s4  }
0xb: {  	s5 =	sshll.u32 s5, $0x10;
	s7 =	smul.u32 $0xC80, s6;
	s6 =	sshll.u32 s6, $0xD  }
.Ltmp0:
0xc: {  	s30 =	sshrl.u32 s9, $0x1;
	s10 =	sadd.s32 s6, s8;
	(pc) =	sbr.rel .LBB2_1-.Ltmp0, $4  }
0xd: {  	s4 =	sadd.s32 s7, s4;
	s7 =	ssub.s32 s9, s30;
	s9 =	sor.u32 s5, s31  }
0xe: {  	s6 =	sadd.s32 $0xC40808, s10;
	s4 =	sadd.s32 $0x800, s4;
	s9 =	sshrl.u32 s9, $0x3  }
0xf: {  	s5 =	smax.u32 s7, $0x1;
	s7 =	sadd.s32 $0xC41808, s10;
	s8 =	sadd.s32 s9, s8  }
0x10: {  	s10 =	simm.s32 $0x80;
	s9 =	simm.s32 $0x9;
	s8 =	sadd.s32 $0x1808, s8  }
.LBB2_3:
0x11: {  	_ =	swait.ge [sflag:s20], $0x2000  }
0x12: {  	[sflag:s20] =	ssyncset.done $0x0  }
0x13: {  	[sflag:s20] =	ssyncadd.s32 $0xFFFFE000  }
0x14: {  	[hbm4b:s7+s18] =	stream.strided.scatter [tilespmem:s16], [sflag:$0x8], $0x2000, s10, s18, $0x38;
	[tilespmem:$0xE400] =	vst v63  }
.LBB2_5:
0x15: {  	_ =	swait.ge [sflag:s21], $0x2000  }
0x16: {  	[sflag:s21] =	ssyncset.done $0x0  }
0x17: {  	[sflag:s21] =	ssyncadd.s32 $0xFFFFE000  }
0x18: {  	_ =	swait.ge [sflag:s22], $0x2000  }
0x19: {  	[sflag:s22] =	ssyncset.done $0x0  }
0x1a: {  	s25 =	sadd.s32 $0x1, s25;
	[sflag:s22] =	ssyncadd.s32 $0xFFFFE000  }
0x1b: {  	p0 =	sne.s32 s25, s5;
	_ =	swait.ge [sflag:s23], $0x2000  }
.Ltmp1:
0x1c: {  	[sflag:s23] =	ssyncset.done $0x0;
	(pc) =	sbr.rel @!p0 .LBB2_6-.Ltmp1, $4  }
0x1d: {  	[sflag:s23] =	ssyncadd.s32 $0xFFFFE000  }
0x1e: {  	_ =	swait.ge [sflag:s24], $0x2000  }
0x1f: {  	[sflag:s24] =	ssyncset.done $0x0  }
0x20: {  	[sflag:s24] =	ssyncadd.s32 $0xFFFFE000  }
.LBB2_1:
0x21: {  	[tilespmem:s2], [sflag:$0x9] =	stream.linear.gather [hbm4b:s4+s2], $0x6400, $0x38;
	[tilespmem:$0xE400] =	vst v63  }
0x22: {  	_ =	swait.ge [sflag:s9], $0x6400  }
0x23: {  	[sflag:s9] =	ssyncset.done $0x0  }
0x24: {  	[sflag:s9] =	ssyncadd.s32 $0xFFFF9C00  }
0x25: {  	[tilespmem:s11], [sflag:$0x1] =	stream.indirect.gather [hbm4b:s3+s10], $0x40, s2, s10, $0xb8;
	[tilespmem:$0xE400] =	vst v63  }
0x26: {  	_ = 	snop  }
0x27: {  	[tilespmem:s12], [sflag:$0x2] =	stream.indirect.gather [hbm4b:s3+s10], $0x40, s10, s10, $0xb8;
	[tilespmem:$0xE400] =	vst v63  }
0x28: {  	_ = 	snop  }
0x29: {  	[tilespmem:s14], [sflag:$0x3] =	stream.indirect.gather [hbm4b:s3+s10], $0x40, s13, s10, $0xb8;
	[tilespmem:$0xE400] =	vst v63  }
0x2a: {  	s26 =	smov.u32 s8;
	s28 =	simm.s32 $0x0  }
0x2b: {  	[tilespmem:s16], [sflag:$0x4] =	stream.indirect.gather [hbm4b:s3+s10], $0x40, s15, s10, $0xb8;
	[tilespmem:$0xE400] =	vst v63  }
.LBB2_2:
0x2c: {  	_ =	swait.ge [sflag:s17], $0x2000  }
0x2d: {  	[sflag:s17] =	ssyncset.done $0x0  }
0x2e: {  	s29 =	sadd.s32 $0xFFFFE800, s26;
	p0 =	seq.s32 s28, $0x18800;
	[sflag:s17] =	ssyncadd.s32 $0xFFFFE000  }
0x2f: {  	[hbm4b:s29+s18] =	stream.strided.scatter [tilespmem:s11], [sflag:$0x5], $0x2000, s10, s18, $0x38;
	[tilespmem:$0xE400] =	vst v63  }
0x30: {  	s29 =	simm.s32 @p0 $0x2  }
0x31: {  	_ =	swait.ge @p0 [sflag:s29], $0x2000  }
0x32: {  	s30 =	simm.s32 @p0 $0x80;
	[sflag:s29] =	ssyncset.done @p0 $0x0  }
0x33: {  	s31 =	simm.s32 @p0 $0x8400;
	[sflag:s29] =	ssyncadd.s32 @p0 $0xFFFFE000;
	s29 =	simm.s32 @p0 $0x40  }
0x34: {  	[hbm4b:s6+s29] =	stream.strided.scatter @p0 [tilespmem:s31], [sflag:$0x6], $0x2000, s30, s29, $0x38;
	[tilespmem:$0xE400] =	vst v63  }
0x35: {  	s29 =	simm.s32 @!p0 $0x5  }
0x36: {  	_ =	swait.ge @!p0 [sflag:s29], $0x2000  }
0x37: {  	[sflag:s29] =	ssyncset.done @!p0 $0x0  }
0x38: {  	[sflag:s29] =	ssyncadd.s32 @!p0 $0xFFFFE000;
	s29 =	sshra.s32 @!p0 s28, $0x2  }
0x39: {  	s1 =	simm.s32 @!p0 $0x6400;
	s31 =	simm.s32 @!p0 $0x80;
	s30 =	sadd.s32 @!p0 $0x200, s29  }
0x3a: {  	[tilespmem:s1], [sflag:$0x1] =	stream.indirect.gather @!p0 [hbm4b:s3+s31], $0x40, s30, s31, $0xb8;
	[tilespmem:$0xE400] =	vst v63  }
0x3b: {  	s1 =	simm.s32 @!p0 $0x2  }
0x3c: {  	_ =	swait.ge @!p0 [sflag:s1], $0x2000  }
0x3d: {  	s0 =	simm.s32 @!p0 $0x8400;
	[sflag:s1] =	ssyncset.done @!p0 $0x0  }
0x3e: {  	s30 =	simm.s32 @!p0 $0x40;
	[sflag:s1] =	ssyncadd.s32 @!p0 $0xFFFFE000;
	s1 =	sadd.s32 @!p0 $0xFFFFF000, s26  }
0x3f: {  	[hbm4b:s1+s30] =	stream.strided.scatter @!p0 [tilespmem:s0], [sflag:$0x6], $0x2000, s31, s30, $0x38;
	[tilespmem:$0xE400] =	vst v63  }
0x40: {  	s1 =	simm.s32 @!p0 $0x6  }
0x41: {  	_ =	swait.ge @!p0 [sflag:s1], $0x2000  }
0x42: {  	[sflag:s1] =	ssyncset.done @!p0 $0x0  }
0x43: {  	[sflag:s1] =	ssyncadd.s32 @!p0 $0xFFFFE000;
	s1 =	sadd.s32 @!p0 $0x280, s29  }
0x44: {  	[tilespmem:s0], [sflag:$0x2] =	stream.indirect.gather @!p0 [hbm4b:s3+s31], $0x40, s1, s31, $0xb8;
	[tilespmem:$0xE400] =	vst v63  }
0x45: {  	p0 =	sne.s32 s28, $0x18800  }
.Ltmp2:
0x46: {  	_ = 	snop;
	(pc) =	sbr.rel @!p0 .LBB2_3-.Ltmp2, $4  }
0x47: {  	_ =	swait.ge [sflag:s19], $0x2000  }
0x48: {  	[sflag:s19] =	ssyncset.done $0x0  }
0x49: {  	s31 =	sadd.s32 $0xFFFFF800, s26;
	[sflag:s19] =	ssyncadd.s32 $0xFFFFE000  }
0x4a: {  	[hbm4b:s31+s18] =	stream.strided.scatter [tilespmem:s14], [sflag:$0x7], $0x2000, s10, s18, $0x38;
	[tilespmem:$0xE400] =	vst v63  }
0x4b: {  	_ =	swait.ge [sflag:s23], $0x2000  }
0x4c: {  	s0 =	sshra.s32 s28, $0x2;
	[sflag:s23] =	ssyncset.done $0x0  }
0x4d: {  	s1 =	sadd.s32 $0x300, s0;
	[sflag:s23] =	ssyncadd.s32 $0xFFFFE000  }
0x4e: {  	[tilespmem:s14], [sflag:$0x3] =	stream.indirect.gather [hbm4b:s3+s10], $0x40, s1, s10, $0xb8;
	[tilespmem:$0xE400] =	vst v63  }
0x4f: {  	_ =	swait.ge [sflag:s20], $0x2000  }
0x50: {  	s28 =	sadd.s32 $0x800, s28;
	[sflag:s20] =	ssyncset.done $0x0  }
0x51: {  	p0 =	sne.s32 s28, $0x19000;
	[sflag:s20] =	ssyncadd.s32 $0xFFFFE000  }
0x52: {  	[hbm4b:s26+s18] =	stream.strided.scatter [tilespmem:s16], [sflag:$0x8], $0x2000, s10, s18, $0x38;
	[tilespmem:$0xE400] =	vst v63  }
.Ltmp3:
0x53: {  	_ = 	snop;
	(pc) =	sbr.rel @p0 .LBB2_2-.Ltmp3, $4  }
.Ltmp4:
0x54: {  	_ =	swait.ge [sflag:s24], $0x2000;
	(pc) =	sbr.rel @!p0 .LBB2_5-.Ltmp4, $4  }
0x55: {  	[sflag:s24] =	ssyncset.done $0x0  }
0x56: {  	s0 =	sadd.s32 $0x380, s0;
	s26 =	sadd.s32 $0x40000, s26;
	[sflag:s24] =	ssyncadd.s32 $0xFFFFE000  }
0x57: {  	[tilespmem:s16], [sflag:$0x4] =	stream.indirect.gather [hbm4b:s3+s10], $0x40, s0, s10, $0xb8;
	[tilespmem:$0xE400] =	vst v63  }
0x58: {  	_ = 	snop  }
.LBB2_6:
0x59: {  	_ =	sfence.sel $0x180000  }
0x5a: {  	[bflag:$0x0] =	sbarrier.arrive $0xFFFF  }
0x5b: {  	_ =	strace $0x9000004A  }
0x5c: {  	s0 =	stileid.u32;
	[bflag:$0x2] =	sbarrier.arrive $0xFFFF  }
0x5d: {  	p0 =	sne.s32 s0, $0x0;
	s0 =	rddreg [dreg:$0x2]  }
0x5e: {  	s0 =	sadd.s32 @!p0 $0x100000, s0  }
0x5f: {  	[sflag:s0] =	ssyncadd.tile.s32 @!p0 $0x1;
	_ =	shalt  }
.Lfunc_end2:
_tile_overlayer_lowered:
.L_overlay_start_2:
0x60: {  	(tag) =	ssettag $0x2  }
0x61: {  	s0 =	rddreg [dreg:$0x0];
	s2 =	stileid.u32  }
0x62: {  	s1 =	rddreg [dreg:$0x1];
	p0 =	sne.s32 s2, $0x0  }
0x63: {  	s3 =	rddreg [dreg:$0x2];
	[bflag:$0x3] =	sbarrier.arrive $0xFFFF;
	s2 =	simm.s32 @!p0 $0x1C09  }
0x64: {  	[timem:s3], [sflag:s2] =	dma.local @!p0 [hbm:s0], s1  }
0x65: {  	s0 =	simm.s32 @!p0 $0x9  }
0x66: {  	_ =	swait.ge @!p0 [sflag:s0], s1  }
0x67: {  	s1 =	ssub.s32 @!p0 $0x0, s1;
	[sflag:s0] =	ssyncset.done @!p0 $0x0  }
0x68: {  	[sflag:s0] =	ssyncadd.s32 @!p0 s1  }
0x69: {  	[bflag:$0x3] =	sbarrier.arrive $0xFFFF  }
0x6a: {  	_ =	shalt  }

</sc_bundles>
